<compile_context>
chip_gen: v7x
topology: tpu7x:2x2x1
jax: 0.10.2.dev20260603
libtpu: 0.0.44.dev20260713+nightly
codegen_flags: <defaults>
</compile_context>

<pallas_src>
import functools
import math

import jax
import jax.numpy as jnp
from jax import lax
from jax.experimental import pallas as pl
from jax.experimental.pallas import tpu as pltpu
from jax.experimental.pallas import tpu_sc as plsc

NUM_CORES = 2
NUM_SUBCORES = 16
NUM_WORKERS = NUM_CORES * NUM_SUBCORES

CHUNK = 16
NT = 3
NS = 3
LOOKAHEAD = 2


@functools.partial(jax.jit, static_argnames=())
def _gather_rows(flat_idx, table):
    n = flat_idx.shape[0]
    d = table.shape[1]
    n_per_w = n // NUM_WORKERS
    n_chunks = n_per_w // CHUNK

    mesh = plsc.VectorSubcoreMesh(core_axis_name="c", subcore_axis_name="s")
    G = LOOKAHEAD

    @functools.partial(
        pl.kernel,
        mesh=mesh,
        out_type=jax.ShapeDtypeStruct((n, d), jnp.float32),
        scratch_types=[
            pltpu.VMEM((n_per_w,), jnp.int32),
            *[pltpu.VMEM((CHUNK, d), jnp.float32) for _ in range(NT)],
            pltpu.VMEM_SHARED((NUM_SUBCORES, NS, CHUNK, d), jnp.float32),
            *[pltpu.SemaphoreType.DMA for _ in range(NT + 2 * NS)],
        ],
    )
    def k(idx_hbm, table_hbm, out_hbm, idx_v, *rest):
        tbufs = rest[:NT]
        shared = rest[NT]
        sems = rest[NT + 1 :]
        gsems = sems[:NT]
        tsems = sems[NT : NT + NS]
        wsems = sems[NT + NS :]

        sid = lax.axis_index("s")
        wid = sid * NUM_CORES + lax.axis_index("c")
        base = wid * n_per_w
        pltpu.sync_copy(idx_hbm.at[pl.ds(base, n_per_w)], idx_v)

        def gather(i, t, s=0):
            pltpu.async_copy(
                table_hbm.at[idx_v.at[pl.ds(i * CHUNK, CHUNK)]], tbufs[t], gsems[t]
            )

        def wait_gather(i, t, s=0):
            pltpu.make_async_copy(
                table_hbm.at[idx_v.at[pl.ds(i * CHUNK, CHUNK)]], tbufs[t], gsems[t]
            ).wait()

        def t2s(i, t, s):
            pltpu.async_copy(tbufs[t], shared.at[sid, s], tsems[s])

        def wait_t2s(i, t, s):
            pltpu.make_async_copy(tbufs[t], shared.at[sid, s], tsems[s]).wait()

        def write(i, t, s):
            pltpu.async_copy(
                shared.at[sid, s], out_hbm.at[pl.ds(base + i * CHUNK, CHUNK)], wsems[s]
            )

        def wait_write(i, t, s):
            pltpu.make_async_copy(
                shared.at[sid, s], out_hbm.at[pl.ds(base + i * CHUNK, CHUNK)], wsems[s]
            ).wait()

        LCM = math.lcm(NT, NS)

        def sel(i, fn):
            for bb in range(LCM):

                @pl.when(lax.rem(i, LCM) == bb)
                def _():
                    fn(i, bb % NT, bb % NS)

        for j in range(min(G, n_chunks)):
            gather(j, j % NT)

        def body(i, carry):
            @pl.when(i - NS >= 0)
            def _():
                sel(i - NS, wait_write)

            @pl.when(i - 1 >= 0)
            def _():
                sel(i - 1, wait_t2s)
                sel(i - 1, write)

            @pl.when(i + G < n_chunks)
            def _():
                sel(i + G, gather)

            sel(i, wait_gather)
            sel(i, t2s)

            return carry

        lax.fori_loop(0, n_chunks, body, 0)
        sel(n_chunks - 1, wait_t2s)
        sel(n_chunks - 1, write)
        for j in range(max(0, n_chunks - NS), n_chunks):
            sel(j, wait_write)

    return k(flat_idx, table)


def kernel(input_ids, word_embeddings):
    b, s = input_ids.shape
    d = word_embeddings.shape[1]
    flat_idx = input_ids.reshape(b * s).astype(jnp.int32)
    out = _gather_rows(flat_idx, word_embeddings)
    return out.reshape(b, s, d)

# --- scband reference (transcript-rebuilt; emitter-appended) ---
"""Pipeline reference for scband-caduceus-embeddings-773094113549 (READ-ONLY COPY).

The authoritative reference and input builder live on the scoring server;
editing this copy changes nothing except your own understanding.
"""

import jax, jax.numpy as jnp
import numpy as np

VOCAB_SIZE = 100000
D_MODEL = 1024
BATCH = 4
SEQ_LEN = 8192

def setup_inputs(seed: int = 0) -> dict:
    key = jax.random.key(seed)
    k_idx, k_w = jax.random.split(key)
    input_ids = jax.random.randint(k_idx, (BATCH, SEQ_LEN), 0, VOCAB_SIZE, dtype=jnp.int64 if jax.config.jax_enable_x64 else jnp.int32)
    # nn.Embedding default init: N(0, 1)
    word_embeddings = jax.random.normal(k_w, (VOCAB_SIZE, D_MODEL), dtype=jnp.float32)
    return {"input_ids": input_ids, "word_embeddings": word_embeddings}

def reference(input_ids, word_embeddings):
    # CaduceusEmbeddings.forward: return self.word_embeddings(input_ids)
    # embedding lookup == row gather from table
    return jnp.take(word_embeddings, input_ids, axis=0)

if __name__ == "__main__":
    import jax
    _d = setup_inputs()
    print(jax.jit(kernel)(*tuple(_d.values())))

</pallas_src>

<mosaic_0001>
#map = affine_map<(d0, d1) -> (0)>
#map1 = affine_map<(d0, d1) -> (0, 0)>
module attributes {stable_mosaic.version = 14 : i64} {
  func.func @k(%arg0: i32, %arg1: i32, %arg2: memref<32768xi32, #tpu.memory_space<hbm>>, %arg3: memref<100000x1024xf32, #tpu.memory_space<hbm>>, %arg4: memref<32768x1024xf32, #tpu.memory_space<hbm>>, %arg5: memref<1024xi32, #tpu.memory_space<vmem>>, %arg6: memref<16x1024xf32, #tpu.memory_space<vmem>>, %arg7: memref<16x1024xf32, #tpu.memory_space<vmem>>, %arg8: memref<16x1024xf32, #tpu.memory_space<vmem>>, %arg9: memref<16x3x16x1024xf32, #tpu.memory_space<vmem_shared>>, %arg10: memref<!tpu.dma_semaphore, #tpu.memory_space<semaphore_mem>>, %arg11: memref<!tpu.dma_semaphore, #tpu.memory_space<semaphore_mem>>, %arg12: memref<!tpu.dma_semaphore, #tpu.memory_space<semaphore_mem>>, %arg13: memref<!tpu.dma_semaphore, #tpu.memory_space<semaphore_mem>>, %arg14: memref<!tpu.dma_semaphore, #tpu.memory_space<semaphore_mem>>, %arg15: memref<!tpu.dma_semaphore, #tpu.memory_space<semaphore_mem>>, %arg16: memref<!tpu.dma_semaphore, #tpu.memory_space<semaphore_mem>>, %arg17: memref<!tpu.dma_semaphore, #tpu.memory_space<semaphore_mem>>, %arg18: memref<!tpu.dma_semaphore, #tpu.memory_space<semaphore_mem>>) attributes {dimension_semantics = [#tpu.dimension_semantics<core_parallel>, #tpu.dimension_semantics<subcore_parallel>], iteration_bounds = array<i64: 2, 16>, scalar_prefetch = 0 : i64, scratch_operands = 14 : i64, tpu.core_type = #tpu.core_type<sc_vector_subcore>, window_params = [{transform_indices = #map}, {transform_indices = #map1}, {transform_indices = #map1}]} {
    %mul3A = arith.constant 2 : i32
    %mul3A_0 = arith.muli %arg1, %mul3A : i32
    %add3A = arith.addi %mul3A_0, %arg0 : i32
    %mul3A_1 = arith.constant 1024 : i32
    %mul3A_2 = arith.muli %add3A, %mul3A_1 : i32
    "tpu.region"() ({
      %run_scoped3A = tpu.sem_alloc : memref<!tpu.dma_semaphore, #tpu.memory_space<semaphore_mem>>
      %dma_start3A_133 = tpu.memref_slice %arg2[%mul3A_2] : memref<32768xi32, #tpu.memory_space<hbm>> -> memref<1024xi32, #tpu.memory_space<hbm>>
      %dma_start3A_134 = tpu.memref_slice %arg2[%mul3A_2] : memref<32768xi32, #tpu.memory_space<hbm>> -> memref<1024xi32, #tpu.memory_space<hbm>>
      tpu.enqueue_dma source(%dma_start3A_134 : memref<1024xi32, #tpu.memory_space<hbm>>) target(%arg5 : memref<1024xi32, #tpu.memory_space<vmem>>) target_semaphore(%run_scoped3A : memref<!tpu.dma_semaphore, #tpu.memory_space<semaphore_mem>>)
      %dma_wait3A = tpu.memref_slice %arg2[%mul3A_2] : memref<32768xi32, #tpu.memory_space<hbm>> -> memref<1024xi32, #tpu.memory_space<hbm>>
      %dma_wait3A_135 = tpu.memref_slice %arg2[%mul3A_2] : memref<32768xi32, #tpu.memory_space<hbm>> -> memref<1024xi32, #tpu.memory_space<hbm>>
      tpu.wait_dma2 semaphore(%run_scoped3A : memref<!tpu.dma_semaphore, #tpu.memory_space<semaphore_mem>>) src(%dma_wait3A_135 : memref<1024xi32, #tpu.memory_space<hbm>>) dst(%arg5 : memref<1024xi32, #tpu.memory_space<vmem>>)
      tpu.yield
    }) : () -> ()
    %dma_start3A = arith.constant 0 : i32
    %dma_start3A_3 = tpu.memref_slice %arg5[%dma_start3A] : memref<1024xi32, #tpu.memory_space<vmem>> -> memref<16xi32, #tpu.memory_space<vmem>>
    %dma_start3A_4 = arith.constant 0 : i32
    %dma_start3A_5 = arith.constant 0 : i32
    %dma_start3A_6 = tpu.memref_slice %arg3[%dma_start3A_4, %dma_start3A_5] : memref<100000x1024xf32, #tpu.memory_space<hbm>> -> memref<100000x1024xf32, #tpu.memory_space<hbm>>
    tpu.enqueue_indirect_dma source(%dma_start3A_6 : memref<100000x1024xf32, #tpu.memory_space<hbm>>) target(%arg6 : memref<16x1024xf32, #tpu.memory_space<vmem>>) offsets(%dma_start3A_3 : memref<16xi32, #tpu.memory_space<vmem>>) semaphore(%arg10 : memref<!tpu.dma_semaphore, #tpu.memory_space<semaphore_mem>>)
    %dma_start3A_7 = arith.constant 16 : i32
    %dma_start3A_8 = tpu.memref_slice %arg5[%dma_start3A_7] : memref<1024xi32, #tpu.memory_space<vmem>> -> memref<16xi32, #tpu.memory_space<vmem>>
    %dma_start3A_9 = arith.constant 0 : i32
    %dma_start3A_10 = arith.constant 0 : i32
    %dma_start3A_11 = tpu.memref_slice %arg3[%dma_start3A_9, %dma_start3A_10] : memref<100000x1024xf32, #tpu.memory_space<hbm>> -> memref<100000x1024xf32, #tpu.memory_space<hbm>>
    tpu.enqueue_indirect_dma source(%dma_start3A_11 : memref<100000x1024xf32, #tpu.memory_space<hbm>>) target(%arg7 : memref<16x1024xf32, #tpu.memory_space<vmem>>) offsets(%dma_start3A_8 : memref<16xi32, #tpu.memory_space<vmem>>) semaphore(%arg11 : memref<!tpu.dma_semaphore, #tpu.memory_space<semaphore_mem>>)
    %scan3A = arith.constant 0 : i32
    %scan3A_12 = arith.constant 0 : i32
    %scan3A_13 = arith.constant 64 : i32
    %scan3A_14 = arith.addi %scan3A_12, %scan3A_13 : i32
    %scan3A_15 = arith.constant 1 : i32
    scf.for %scan3A_133 = %scan3A_12 to %scan3A_14 step %scan3A_15  : i32 {
      %sub3A = arith.constant 3 : i32
      %sub3A_134 = arith.subi %scan3A_133, %sub3A : i32
      %ge3A = arith.constant 0 : i32
      %ge3A_135 = arith.cmpi sge, %sub3A_134, %ge3A : i32
      %convert_element_type3A_136 = arith.extui %ge3A_135 : i1 to i32
      %cond3A_137 = arith.constant 0 : i32
      %cond3A_138 = arith.cmpi ne, %convert_element_type3A_136, %cond3A_137 : i32
      scf.if %cond3A_138 {
        %sub3A_194 = arith.constant 3 : i32
        %sub3A_195 = arith.subi %scan3A_133, %sub3A_194 : i32
        %rem3A_196 = arith.constant 3 : i32
        %rem3A_197 = arith.remsi %sub3A_195, %rem3A_196 : i32
        %eq3A_198 = arith.constant 0 : i32
        %eq3A_199 = arith.cmpi eq, %rem3A_197, %eq3A_198 : i32
        %convert_element_type3A_200 = arith.extui %eq3A_199 : i1 to i32
        %cond3A_201 = arith.constant 0 : i32
        %cond3A_202 = arith.cmpi ne, %convert_element_type3A_200, %cond3A_201 : i32
        scf.if %cond3A_202 {
          %mul3A_217 = arith.constant 16 : i32
          %mul3A_218 = arith.muli %sub3A_195, %mul3A_217 : i32
          %add3A_219 = arith.addi %mul3A_2, %mul3A_218 : i32
          %dma_wait3A = arith.constant 0 : i32
          %dma_wait3A_220 = arith.constant 0 : i32
          %dma_wait3A_221 = tpu.memref_slice %arg4[%add3A_219, %dma_wait3A_220] : memref<32768x1024xf32, #tpu.memory_space<hbm>> -> memref<16x1024xf32, #tpu.memory_space<hbm>>
          %dma_wait3A_222 = arith.constant 0 : i32
          %dma_wait3A_223 = arith.constant 0 : i32
          %dma_wait3A_224 = tpu.memref_slice %arg9[%arg1, %dma_wait3A, %dma_wait3A_222, %dma_wait3A_223] : memref<16x3x16x1024xf32, #tpu.memory_space<vmem_shared>> -> memref<1x1x16x1024xf32, #tpu.memory_space<vmem_shared>>
          %dma_wait3A_225 = tpu.memref_squeeze %dma_wait3A_224 : memref<1x1x16x1024xf32, #tpu.memory_space<vmem_shared>> -> memref<16x1024xf32, #tpu.memory_space<vmem_shared>>
          tpu.wait_dma2 semaphore(%arg16 : memref<!tpu.dma_semaphore, #tpu.memory_space<semaphore_mem>>) src(%dma_wait3A_225 : memref<16x1024xf32, #tpu.memory_space<vmem_shared>>) dst(%dma_wait3A_221 : memref<16x1024xf32, #tpu.memory_space<hbm>>)
        } else {
        }
        %rem3A_203 = arith.constant 3 : i32
        %rem3A_204 = arith.remsi %sub3A_195, %rem3A_203 : i32
        %eq3A_205 = arith.constant 1 : i32
        %eq3A_206 = arith.cmpi eq, %rem3A_204, %eq3A_205 : i32
        %convert_element_type3A_207 = arith.extui %eq3A_206 : i1 to i32
        %cond3A_208 = arith.constant 0 : i32
        %cond3A_209 = arith.cmpi ne, %convert_element_type3A_207, %cond3A_208 : i32
        scf.if %cond3A_209 {
          %mul3A_217 = arith.constant 16 : i32
          %mul3A_218 = arith.muli %sub3A_195, %mul3A_217 : i32
          %add3A_219 = arith.addi %mul3A_2, %mul3A_218 : i32
          %dma_wait3A = arith.constant 1 : i32
          %dma_wait3A_220 = arith.constant 0 : i32
          %dma_wait3A_221 = tpu.memref_slice %arg4[%add3A_219, %dma_wait3A_220] : memref<32768x1024xf32, #tpu.memory_space<hbm>> -> memref<16x1024xf32, #tpu.memory_space<hbm>>
          %dma_wait3A_222 = arith.constant 0 : i32
          %dma_wait3A_223 = arith.constant 0 : i32
          %dma_wait3A_224 = tpu.memref_slice %arg9[%arg1, %dma_wait3A, %dma_wait3A_222, %dma_wait3A_223] : memref<16x3x16x1024xf32, #tpu.memory_space<vmem_shared>> -> memref<1x1x16x1024xf32, #tpu.memory_space<vmem_shared>>
          %dma_wait3A_225 = tpu.memref_squeeze %dma_wait3A_224 : memref<1x1x16x1024xf32, #tpu.memory_space<vmem_shared>> -> memref<16x1024xf32, #tpu.memory_space<vmem_shared>>
          tpu.wait_dma2 semaphore(%arg17 : memref<!tpu.dma_semaphore, #tpu.memory_space<semaphore_mem>>) src(%dma_wait3A_225 : memref<16x1024xf32, #tpu.memory_space<vmem_shared>>) dst(%dma_wait3A_221 : memref<16x1024xf32, #tpu.memory_space<hbm>>)
        } else {
        }
        %rem3A_210 = arith.constant 3 : i32
        %rem3A_211 = arith.remsi %sub3A_195, %rem3A_210 : i32
        %eq3A_212 = arith.constant 2 : i32
        %eq3A_213 = arith.cmpi eq, %rem3A_211, %eq3A_212 : i32
        %convert_element_type3A_214 = arith.extui %eq3A_213 : i1 to i32
        %cond3A_215 = arith.constant 0 : i32
        %cond3A_216 = arith.cmpi ne, %convert_element_type3A_214, %cond3A_215 : i32
        scf.if %cond3A_216 {
          %mul3A_217 = arith.constant 16 : i32
          %mul3A_218 = arith.muli %sub3A_195, %mul3A_217 : i32
          %add3A_219 = arith.addi %mul3A_2, %mul3A_218 : i32
          %dma_wait3A = arith.constant 2 : i32
          %dma_wait3A_220 = arith.constant 0 : i32
          %dma_wait3A_221 = tpu.memref_slice %arg4[%add3A_219, %dma_wait3A_220] : memref<32768x1024xf32, #tpu.memory_space<hbm>> -> memref<16x1024xf32, #tpu.memory_space<hbm>>
          %dma_wait3A_222 = arith.constant 0 : i32
          %dma_wait3A_223 = arith.constant 0 : i32
          %dma_wait3A_224 = tpu.memref_slice %arg9[%arg1, %dma_wait3A, %dma_wait3A_222, %dma_wait3A_223] : memref<16x3x16x1024xf32, #tpu.memory_space<vmem_shared>> -> memref<1x1x16x1024xf32, #tpu.memory_space<vmem_shared>>
          %dma_wait3A_225 = tpu.memref_squeeze %dma_wait3A_224 : memref<1x1x16x1024xf32, #tpu.memory_space<vmem_shared>> -> memref<16x1024xf32, #tpu.memory_space<vmem_shared>>
          tpu.wait_dma2 semaphore(%arg18 : memref<!tpu.dma_semaphore, #tpu.memory_space<semaphore_mem>>) src(%dma_wait3A_225 : memref<16x1024xf32, #tpu.memory_space<vmem_shared>>) dst(%dma_wait3A_221 : memref<16x1024xf32, #tpu.memory_space<hbm>>)
        } else {
        }
      } else {
      }
      %sub3A_139 = arith.constant 1 : i32
      %sub3A_140 = arith.subi %scan3A_133, %sub3A_139 : i32
      %ge3A_141 = arith.constant 0 : i32
      %ge3A_142 = arith.cmpi sge, %sub3A_140, %ge3A_141 : i32
      %convert_element_type3A_143 = arith.extui %ge3A_142 : i1 to i32
      %cond3A_144 = arith.constant 0 : i32
      %cond3A_145 = arith.cmpi ne, %convert_element_type3A_143, %cond3A_144 : i32
      scf.if %cond3A_145 {
        %sub3A_194 = arith.constant 1 : i32
        %sub3A_195 = arith.subi %scan3A_133, %sub3A_194 : i32
        %rem3A_196 = arith.constant 3 : i32
        %rem3A_197 = arith.remsi %sub3A_195, %rem3A_196 : i32
        %eq3A_198 = arith.constant 0 : i32
        %eq3A_199 = arith.cmpi eq, %rem3A_197, %eq3A_198 : i32
        %convert_element_type3A_200 = arith.extui %eq3A_199 : i1 to i32
        %cond3A_201 = arith.constant 0 : i32
        %cond3A_202 = arith.cmpi ne, %convert_element_type3A_200, %cond3A_201 : i32
        scf.if %cond3A_202 {
          %dma_wait3A = arith.constant 0 : i32
          %dma_wait3A_240 = arith.constant 0 : i32
          %dma_wait3A_241 = arith.constant 0 : i32
          %dma_wait3A_242 = tpu.memref_slice %arg9[%arg1, %dma_wait3A, %dma_wait3A_240, %dma_wait3A_241] : memref<16x3x16x1024xf32, #tpu.memory_space<vmem_shared>> -> memref<1x1x16x1024xf32, #tpu.memory_space<vmem_shared>>
          %dma_wait3A_243 = tpu.memref_squeeze %dma_wait3A_242 : memref<1x1x16x1024xf32, #tpu.memory_space<vmem_shared>> -> memref<16x1024xf32, #tpu.memory_space<vmem_shared>>
          %dma_wait3A_244 = arith.constant 0 : i32
          %dma_wait3A_245 = arith.constant 0 : i32
          %dma_wait3A_246 = tpu.memref_slice %arg9[%arg1, %dma_wait3A, %dma_wait3A_244, %dma_wait3A_245] : memref<16x3x16x1024xf32, #tpu.memory_space<vmem_shared>> -> memref<1x1x16x1024xf32, #tpu.memory_space<vmem_shared>>
          %dma_wait3A_247 = tpu.memref_squeeze %dma_wait3A_246 : memref<1x1x16x1024xf32, #tpu.memory_space<vmem_shared>> -> memref<16x1024xf32, #tpu.memory_space<vmem_shared>>
          tpu.wait_dma2 semaphore(%arg13 : memref<!tpu.dma_semaphore, #tpu.memory_space<semaphore_mem>>) src(%arg6 : memref<16x1024xf32, #tpu.memory_space<vmem>>) dst(%dma_wait3A_247 : memref<16x1024xf32, #tpu.memory_space<vmem_shared>>)
        } else {
        }
        %rem3A_203 = arith.constant 3 : i32
        %rem3A_204 = arith.remsi %sub3A_195, %rem3A_203 : i32
        %eq3A_205 = arith.constant 1 : i32
        %eq3A_206 = arith.cmpi eq, %rem3A_204, %eq3A_205 : i32
        %convert_element_type3A_207 = arith.extui %eq3A_206 : i1 to i32
        %cond3A_208 = arith.constant 0 : i32
        %cond3A_209 = arith.cmpi ne, %convert_element_type3A_207, %cond3A_208 : i32
        scf.if %cond3A_209 {
          %dma_wait3A = arith.constant 1 : i32
          %dma_wait3A_240 = arith.constant 0 : i32
          %dma_wait3A_241 = arith.constant 0 : i32
          %dma_wait3A_242 = tpu.memref_slice %arg9[%arg1, %dma_wait3A, %dma_wait3A_240, %dma_wait3A_241] : memref<16x3x16x1024xf32, #tpu.memory_space<vmem_shared>> -> memref<1x1x16x1024xf32, #tpu.memory_space<vmem_shared>>
          %dma_wait3A_243 = tpu.memref_squeeze %dma_wait3A_242 : memref<1x1x16x1024xf32, #tpu.memory_space<vmem_shared>> -> memref<16x1024xf32, #tpu.memory_space<vmem_shared>>
          %dma_wait3A_244 = arith.constant 0 : i32
          %dma_wait3A_245 = arith.constant 0 : i32
          %dma_wait3A_246 = tpu.memref_slice %arg9[%arg1, %dma_wait3A, %dma_wait3A_244, %dma_wait3A_245] : memref<16x3x16x1024xf32, #tpu.memory_space<vmem_shared>> -> memref<1x1x16x1024xf32, #tpu.memory_space<vmem_shared>>
          %dma_wait3A_247 = tpu.memref_squeeze %dma_wait3A_246 : memref<1x1x16x1024xf32, #tpu.memory_space<vmem_shared>> -> memref<16x1024xf32, #tpu.memory_space<vmem_shared>>
          tpu.wait_dma2 semaphore(%arg14 : memref<!tpu.dma_semaphore, #tpu.memory_space<semaphore_mem>>) src(%arg7 : memref<16x1024xf32, #tpu.memory_space<vmem>>) dst(%dma_wait3A_247 : memref<16x1024xf32, #tpu.memory_space<vmem_shared>>)
        } else {
        }
        %rem3A_210 = arith.constant 3 : i32
        %rem3A_211 = arith.remsi %sub3A_195, %rem3A_210 : i32
        %eq3A_212 = arith.constant 2 : i32
        %eq3A_213 = arith.cmpi eq, %rem3A_211, %eq3A_212 : i32
        %convert_element_type3A_214 = arith.extui %eq3A_213 : i1 to i32
        %cond3A_215 = arith.constant 0 : i32
        %cond3A_216 = arith.cmpi ne, %convert_element_type3A_214, %cond3A_215 : i32
        scf.if %cond3A_216 {
          %dma_wait3A = arith.constant 2 : i32
          %dma_wait3A_240 = arith.constant 0 : i32
          %dma_wait3A_241 = arith.constant 0 : i32
          %dma_wait3A_242 = tpu.memref_slice %arg9[%arg1, %dma_wait3A, %dma_wait3A_240, %dma_wait3A_241] : memref<16x3x16x1024xf32, #tpu.memory_space<vmem_shared>> -> memref<1x1x16x1024xf32, #tpu.memory_space<vmem_shared>>
          %dma_wait3A_243 = tpu.memref_squeeze %dma_wait3A_242 : memref<1x1x16x1024xf32, #tpu.memory_space<vmem_shared>> -> memref<16x1024xf32, #tpu.memory_space<vmem_shared>>
          %dma_wait3A_244 = arith.constant 0 : i32
          %dma_wait3A_245 = arith.constant 0 : i32
          %dma_wait3A_246 = tpu.memref_slice %arg9[%arg1, %dma_wait3A, %dma_wait3A_244, %dma_wait3A_245] : memref<16x3x16x1024xf32, #tpu.memory_space<vmem_shared>> -> memref<1x1x16x1024xf32, #tpu.memory_space<vmem_shared>>
          %dma_wait3A_247 = tpu.memref_squeeze %dma_wait3A_246 : memref<1x1x16x1024xf32, #tpu.memory_space<vmem_shared>> -> memref<16x1024xf32, #tpu.memory_space<vmem_shared>>
          tpu.wait_dma2 semaphore(%arg15 : memref<!tpu.dma_semaphore, #tpu.memory_space<semaphore_mem>>) src(%arg8 : memref<16x1024xf32, #tpu.memory_space<vmem>>) dst(%dma_wait3A_247 : memref<16x1024xf32, #tpu.memory_space<vmem_shared>>)
        } else {
        }
        %sub3A_217 = arith.constant 1 : i32
        %sub3A_218 = arith.subi %scan3A_133, %sub3A_217 : i32
        %rem3A_219 = arith.constant 3 : i32
        %rem3A_220 = arith.remsi %sub3A_218, %rem3A_219 : i32
        %eq3A_221 = arith.constant 0 : i32
        %eq3A_222 = arith.cmpi eq, %rem3A_220, %eq3A_221 : i32
        %convert_element_type3A_223 = arith.extui %eq3A_222 : i1 to i32
        %cond3A_224 = arith.constant 0 : i32
        %cond3A_225 = arith.cmpi ne, %convert_element_type3A_223, %cond3A_224 : i32
        scf.if %cond3A_225 {
          %mul3A_240 = arith.constant 16 : i32
          %mul3A_241 = arith.muli %sub3A_218, %mul3A_240 : i32
          %add3A_242 = arith.addi %mul3A_2, %mul3A_241 : i32
          %dma_start3A_243 = arith.constant 0 : i32
          %dma_start3A_244 = arith.constant 0 : i32
          %dma_start3A_245 = tpu.memref_slice %arg4[%add3A_242, %dma_start3A_244] : memref<32768x1024xf32, #tpu.memory_space<hbm>> -> memref<16x1024xf32, #tpu.memory_space<hbm>>
          %dma_start3A_246 = arith.constant 0 : i32
          %dma_start3A_247 = arith.constant 0 : i32
          %dma_start3A_248 = tpu.memref_slice %arg9[%arg1, %dma_start3A_243, %dma_start3A_246, %dma_start3A_247] : memref<16x3x16x1024xf32, #tpu.memory_space<vmem_shared>> -> memref<1x1x16x1024xf32, #tpu.memory_space<vmem_shared>>
          %dma_start3A_249 = tpu.memref_squeeze %dma_start3A_248 : memref<1x1x16x1024xf32, #tpu.memory_space<vmem_shared>> -> memref<16x1024xf32, #tpu.memory_space<vmem_shared>>
          tpu.enqueue_dma source(%dma_start3A_249 : memref<16x1024xf32, #tpu.memory_space<vmem_shared>>) target(%dma_start3A_245 : memref<16x1024xf32, #tpu.memory_space<hbm>>) target_semaphore(%arg16 : memref<!tpu.dma_semaphore, #tpu.memory_space<semaphore_mem>>)
        } else {
        }
        %rem3A_226 = arith.constant 3 : i32
        %rem3A_227 = arith.remsi %sub3A_218, %rem3A_226 : i32
        %eq3A_228 = arith.constant 1 : i32
        %eq3A_229 = arith.cmpi eq, %rem3A_227, %eq3A_228 : i32
        %convert_element_type3A_230 = arith.extui %eq3A_229 : i1 to i32
        %cond3A_231 = arith.constant 0 : i32
        %cond3A_232 = arith.cmpi ne, %convert_element_type3A_230, %cond3A_231 : i32
        scf.if %cond3A_232 {
          %mul3A_240 = arith.constant 16 : i32
          %mul3A_241 = arith.muli %sub3A_218, %mul3A_240 : i32
          %add3A_242 = arith.addi %mul3A_2, %mul3A_241 : i32
          %dma_start3A_243 = arith.constant 1 : i32
          %dma_start3A_244 = arith.constant 0 : i32
          %dma_start3A_245 = tpu.memref_slice %arg4[%add3A_242, %dma_start3A_244] : memref<32768x1024xf32, #tpu.memory_space<hbm>> -> memref<16x1024xf32, #tpu.memory_space<hbm>>
          %dma_start3A_246 = arith.constant 0 : i32
          %dma_start3A_247 = arith.constant 0 : i32
          %dma_start3A_248 = tpu.memref_slice %arg9[%arg1, %dma_start3A_243, %dma_start3A_246, %dma_start3A_247] : memref<16x3x16x1024xf32, #tpu.memory_space<vmem_shared>> -> memref<1x1x16x1024xf32, #tpu.memory_space<vmem_shared>>
          %dma_start3A_249 = tpu.memref_squeeze %dma_start3A_248 : memref<1x1x16x1024xf32, #tpu.memory_space<vmem_shared>> -> memref<16x1024xf32, #tpu.memory_space<vmem_shared>>
          tpu.enqueue_dma source(%dma_start3A_249 : memref<16x1024xf32, #tpu.memory_space<vmem_shared>>) target(%dma_start3A_245 : memref<16x1024xf32, #tpu.memory_space<hbm>>) target_semaphore(%arg17 : memref<!tpu.dma_semaphore, #tpu.memory_space<semaphore_mem>>)
        } else {
        }
        %rem3A_233 = arith.constant 3 : i32
        %rem3A_234 = arith.remsi %sub3A_218, %rem3A_233 : i32
        %eq3A_235 = arith.constant 2 : i32
        %eq3A_236 = arith.cmpi eq, %rem3A_234, %eq3A_235 : i32
        %convert_element_type3A_237 = arith.extui %eq3A_236 : i1 to i32
        %cond3A_238 = arith.constant 0 : i32
        %cond3A_239 = arith.cmpi ne, %convert_element_type3A_237, %cond3A_238 : i32
        scf.if %cond3A_239 {
          %mul3A_240 = arith.constant 16 : i32
          %mul3A_241 = arith.muli %sub3A_218, %mul3A_240 : i32
          %add3A_242 = arith.addi %mul3A_2, %mul3A_241 : i32
          %dma_start3A_243 = arith.constant 2 : i32
          %dma_start3A_244 = arith.constant 0 : i32
          %dma_start3A_245 = tpu.memref_slice %arg4[%add3A_242, %dma_start3A_244] : memref<32768x1024xf32, #tpu.memory_space<hbm>> -> memref<16x1024xf32, #tpu.memory_space<hbm>>
          %dma_start3A_246 = arith.constant 0 : i32
          %dma_start3A_247 = arith.constant 0 : i32
          %dma_start3A_248 = tpu.memref_slice %arg9[%arg1, %dma_start3A_243, %dma_start3A_246, %dma_start3A_247] : memref<16x3x16x1024xf32, #tpu.memory_space<vmem_shared>> -> memref<1x1x16x1024xf32, #tpu.memory_space<vmem_shared>>
          %dma_start3A_249 = tpu.memref_squeeze %dma_start3A_248 : memref<1x1x16x1024xf32, #tpu.memory_space<vmem_shared>> -> memref<16x1024xf32, #tpu.memory_space<vmem_shared>>
          tpu.enqueue_dma source(%dma_start3A_249 : memref<16x1024xf32, #tpu.memory_space<vmem_shared>>) target(%dma_start3A_245 : memref<16x1024xf32, #tpu.memory_space<hbm>>) target_semaphore(%arg18 : memref<!tpu.dma_semaphore, #tpu.memory_space<semaphore_mem>>)
        } else {
        }
      } else {
      }
      %add3A_146 = arith.constant 2 : i32
      %add3A_147 = arith.addi %scan3A_133, %add3A_146 : i32
      %lt3A = arith.constant 64 : i32
      %lt3A_148 = arith.cmpi slt, %add3A_147, %lt3A : i32
      %convert_element_type3A_149 = arith.extui %lt3A_148 : i1 to i32
      %cond3A_150 = arith.constant 0 : i32
      %cond3A_151 = arith.cmpi ne, %convert_element_type3A_149, %cond3A_150 : i32
      scf.if %cond3A_151 {
        %add3A_194 = arith.constant 2 : i32
        %add3A_195 = arith.addi %scan3A_133, %add3A_194 : i32
        %rem3A_196 = arith.constant 3 : i32
        %rem3A_197 = arith.remsi %add3A_195, %rem3A_196 : i32
        %eq3A_198 = arith.constant 0 : i32
        %eq3A_199 = arith.cmpi eq, %rem3A_197, %eq3A_198 : i32
        %convert_element_type3A_200 = arith.extui %eq3A_199 : i1 to i32
        %cond3A_201 = arith.constant 0 : i32
        %cond3A_202 = arith.cmpi ne, %convert_element_type3A_200, %cond3A_201 : i32
        scf.if %cond3A_202 {
          %mul3A_217 = arith.constant 16 : i32
          %mul3A_218 = arith.muli %add3A_195, %mul3A_217 : i32
          %dma_start3A_219 = tpu.memref_slice %arg5[%mul3A_218] : memref<1024xi32, #tpu.memory_space<vmem>> -> memref<16xi32, #tpu.memory_space<vmem>>
          %dma_start3A_220 = arith.constant 0 : i32
          %dma_start3A_221 = arith.constant 0 : i32
          %dma_start3A_222 = tpu.memref_slice %arg3[%dma_start3A_220, %dma_start3A_221] : memref<100000x1024xf32, #tpu.memory_space<hbm>> -> memref<100000x1024xf32, #tpu.memory_space<hbm>>
          tpu.enqueue_indirect_dma source(%dma_start3A_222 : memref<100000x1024xf32, #tpu.memory_space<hbm>>) target(%arg6 : memref<16x1024xf32, #tpu.memory_space<vmem>>) offsets(%dma_start3A_219 : memref<16xi32, #tpu.memory_space<vmem>>) semaphore(%arg10 : memref<!tpu.dma_semaphore, #tpu.memory_space<semaphore_mem>>)
        } else {
        }
        %rem3A_203 = arith.constant 3 : i32
        %rem3A_204 = arith.remsi %add3A_195, %rem3A_203 : i32
        %eq3A_205 = arith.constant 1 : i32
        %eq3A_206 = arith.cmpi eq, %rem3A_204, %eq3A_205 : i32
        %convert_element_type3A_207 = arith.extui %eq3A_206 : i1 to i32
        %cond3A_208 = arith.constant 0 : i32
        %cond3A_209 = arith.cmpi ne, %convert_element_type3A_207, %cond3A_208 : i32
        scf.if %cond3A_209 {
          %mul3A_217 = arith.constant 16 : i32
          %mul3A_218 = arith.muli %add3A_195, %mul3A_217 : i32
          %dma_start3A_219 = tpu.memref_slice %arg5[%mul3A_218] : memref<1024xi32, #tpu.memory_space<vmem>> -> memref<16xi32, #tpu.memory_space<vmem>>
          %dma_start3A_220 = arith.constant 0 : i32
          %dma_start3A_221 = arith.constant 0 : i32
          %dma_start3A_222 = tpu.memref_slice %arg3[%dma_start3A_220, %dma_start3A_221] : memref<100000x1024xf32, #tpu.memory_space<hbm>> -> memref<100000x1024xf32, #tpu.memory_space<hbm>>
          tpu.enqueue_indirect_dma source(%dma_start3A_222 : memref<100000x1024xf32, #tpu.memory_space<hbm>>) target(%arg7 : memref<16x1024xf32, #tpu.memory_space<vmem>>) offsets(%dma_start3A_219 : memref<16xi32, #tpu.memory_space<vmem>>) semaphore(%arg11 : memref<!tpu.dma_semaphore, #tpu.memory_space<semaphore_mem>>)
        } else {
        }
        %rem3A_210 = arith.constant 3 : i32
        %rem3A_211 = arith.remsi %add3A_195, %rem3A_210 : i32
        %eq3A_212 = arith.constant 2 : i32
        %eq3A_213 = arith.cmpi eq, %rem3A_211, %eq3A_212 : i32
        %convert_element_type3A_214 = arith.extui %eq3A_213 : i1 to i32
        %cond3A_215 = arith.constant 0 : i32
        %cond3A_216 = arith.cmpi ne, %convert_element_type3A_214, %cond3A_215 : i32
        scf.if %cond3A_216 {
          %mul3A_217 = arith.constant 16 : i32
          %mul3A_218 = arith.muli %add3A_195, %mul3A_217 : i32
          %dma_start3A_219 = tpu.memref_slice %arg5[%mul3A_218] : memref<1024xi32, #tpu.memory_space<vmem>> -> memref<16xi32, #tpu.memory_space<vmem>>
          %dma_start3A_220 = arith.constant 0 : i32
          %dma_start3A_221 = arith.constant 0 : i32
          %dma_start3A_222 = tpu.memref_slice %arg3[%dma_start3A_220, %dma_start3A_221] : memref<100000x1024xf32, #tpu.memory_space<hbm>> -> memref<100000x1024xf32, #tpu.memory_space<hbm>>
          tpu.enqueue_indirect_dma source(%dma_start3A_222 : memref<100000x1024xf32, #tpu.memory_space<hbm>>) target(%arg8 : memref<16x1024xf32, #tpu.memory_space<vmem>>) offsets(%dma_start3A_219 : memref<16xi32, #tpu.memory_space<vmem>>) semaphore(%arg12 : memref<!tpu.dma_semaphore, #tpu.memory_space<semaphore_mem>>)
        } else {
        }
      } else {
      }
      %rem3A_152 = arith.constant 3 : i32
      %rem3A_153 = arith.remsi %scan3A_133, %rem3A_152 : i32
      %eq3A_154 = arith.constant 0 : i32
      %eq3A_155 = arith.cmpi eq, %rem3A_153, %eq3A_154 : i32
      %convert_element_type3A_156 = arith.extui %eq3A_155 : i1 to i32
      %cond3A_157 = arith.constant 0 : i32
      %cond3A_158 = arith.cmpi ne, %convert_element_type3A_156, %cond3A_157 : i32
      scf.if %cond3A_158 {
        %mul3A_194 = arith.constant 16 : i32
        %mul3A_195 = arith.muli %scan3A_133, %mul3A_194 : i32
        %dma_wait3A = tpu.memref_slice %arg5[%mul3A_195] : memref<1024xi32, #tpu.memory_space<vmem>> -> memref<16xi32, #tpu.memory_space<vmem>>
        %dma_wait3A_196 = arith.constant 0 : i32
        %dma_wait3A_197 = arith.constant 0 : i32
        %dma_wait3A_198 = tpu.memref_slice %arg3[%dma_wait3A_196, %dma_wait3A_197] : memref<100000x1024xf32, #tpu.memory_space<hbm>> -> memref<100000x1024xf32, #tpu.memory_space<hbm>>
        tpu.wait_indirect_dma semaphore(%arg10 : memref<!tpu.dma_semaphore, #tpu.memory_space<semaphore_mem>>) src(%dma_wait3A_198 : memref<100000x1024xf32, #tpu.memory_space<hbm>>) dst(%arg6 : memref<16x1024xf32, #tpu.memory_space<vmem>>)
      } else {
      }
      %rem3A_159 = arith.constant 3 : i32
      %rem3A_160 = arith.remsi %scan3A_133, %rem3A_159 : i32
      %eq3A_161 = arith.constant 1 : i32
      %eq3A_162 = arith.cmpi eq, %rem3A_160, %eq3A_161 : i32
      %convert_element_type3A_163 = arith.extui %eq3A_162 : i1 to i32
      %cond3A_164 = arith.constant 0 : i32
      %cond3A_165 = arith.cmpi ne, %convert_element_type3A_163, %cond3A_164 : i32
      scf.if %cond3A_165 {
        %mul3A_194 = arith.constant 16 : i32
        %mul3A_195 = arith.muli %scan3A_133, %mul3A_194 : i32
        %dma_wait3A = tpu.memref_slice %arg5[%mul3A_195] : memref<1024xi32, #tpu.memory_space<vmem>> -> memref<16xi32, #tpu.memory_space<vmem>>
        %dma_wait3A_196 = arith.constant 0 : i32
        %dma_wait3A_197 = arith.constant 0 : i32
        %dma_wait3A_198 = tpu.memref_slice %arg3[%dma_wait3A_196, %dma_wait3A_197] : memref<100000x1024xf32, #tpu.memory_space<hbm>> -> memref<100000x1024xf32, #tpu.memory_space<hbm>>
        tpu.wait_indirect_dma semaphore(%arg11 : memref<!tpu.dma_semaphore, #tpu.memory_space<semaphore_mem>>) src(%dma_wait3A_198 : memref<100000x1024xf32, #tpu.memory_space<hbm>>) dst(%arg7 : memref<16x1024xf32, #tpu.memory_space<vmem>>)
      } else {
      }
      %rem3A_166 = arith.constant 3 : i32
      %rem3A_167 = arith.remsi %scan3A_133, %rem3A_166 : i32
      %eq3A_168 = arith.constant 2 : i32
      %eq3A_169 = arith.cmpi eq, %rem3A_167, %eq3A_168 : i32
      %convert_element_type3A_170 = arith.extui %eq3A_169 : i1 to i32
      %cond3A_171 = arith.constant 0 : i32
      %cond3A_172 = arith.cmpi ne, %convert_element_type3A_170, %cond3A_171 : i32
      scf.if %cond3A_172 {
        %mul3A_194 = arith.constant 16 : i32
        %mul3A_195 = arith.muli %scan3A_133, %mul3A_194 : i32
        %dma_wait3A = tpu.memref_slice %arg5[%mul3A_195] : memref<1024xi32, #tpu.memory_space<vmem>> -> memref<16xi32, #tpu.memory_space<vmem>>
        %dma_wait3A_196 = arith.constant 0 : i32
        %dma_wait3A_197 = arith.constant 0 : i32
        %dma_wait3A_198 = tpu.memref_slice %arg3[%dma_wait3A_196, %dma_wait3A_197] : memref<100000x1024xf32, #tpu.memory_space<hbm>> -> memref<100000x1024xf32, #tpu.memory_space<hbm>>
        tpu.wait_indirect_dma semaphore(%arg12 : memref<!tpu.dma_semaphore, #tpu.memory_space<semaphore_mem>>) src(%dma_wait3A_198 : memref<100000x1024xf32, #tpu.memory_space<hbm>>) dst(%arg8 : memref<16x1024xf32, #tpu.memory_space<vmem>>)
      } else {
      }
      %rem3A_173 = arith.constant 3 : i32
      %rem3A_174 = arith.remsi %scan3A_133, %rem3A_173 : i32
      %eq3A_175 = arith.constant 0 : i32
      %eq3A_176 = arith.cmpi eq, %rem3A_174, %eq3A_175 : i32
      %convert_element_type3A_177 = arith.extui %eq3A_176 : i1 to i32
      %cond3A_178 = arith.constant 0 : i32
      %cond3A_179 = arith.cmpi ne, %convert_element_type3A_177, %cond3A_178 : i32
      scf.if %cond3A_179 {
        %dma_start3A_194 = arith.constant 0 : i32
        %dma_start3A_195 = arith.constant 0 : i32
        %dma_start3A_196 = arith.constant 0 : i32
        %dma_start3A_197 = tpu.memref_slice %arg9[%arg1, %dma_start3A_194, %dma_start3A_195, %dma_start3A_196] : memref<16x3x16x1024xf32, #tpu.memory_space<vmem_shared>> -> memref<1x1x16x1024xf32, #tpu.memory_space<vmem_shared>>
        %dma_start3A_198 = tpu.memref_squeeze %dma_start3A_197 : memref<1x1x16x1024xf32, #tpu.memory_space<vmem_shared>> -> memref<16x1024xf32, #tpu.memory_space<vmem_shared>>
        %dma_start3A_199 = arith.constant 0 : i32
        %dma_start3A_200 = arith.constant 0 : i32
        %dma_start3A_201 = tpu.memref_slice %arg9[%arg1, %dma_start3A_194, %dma_start3A_199, %dma_start3A_200] : memref<16x3x16x1024xf32, #tpu.memory_space<vmem_shared>> -> memref<1x1x16x1024xf32, #tpu.memory_space<vmem_shared>>
        %dma_start3A_202 = tpu.memref_squeeze %dma_start3A_201 : memref<1x1x16x1024xf32, #tpu.memory_space<vmem_shared>> -> memref<16x1024xf32, #tpu.memory_space<vmem_shared>>
        tpu.enqueue_dma source(%arg6 : memref<16x1024xf32, #tpu.memory_space<vmem>>) target(%dma_start3A_202 : memref<16x1024xf32, #tpu.memory_space<vmem_shared>>) target_semaphore(%arg13 : memref<!tpu.dma_semaphore, #tpu.memory_space<semaphore_mem>>)
      } else {
      }
      %rem3A_180 = arith.constant 3 : i32
      %rem3A_181 = arith.remsi %scan3A_133, %rem3A_180 : i32
      %eq3A_182 = arith.constant 1 : i32
      %eq3A_183 = arith.cmpi eq, %rem3A_181, %eq3A_182 : i32
      %convert_element_type3A_184 = arith.extui %eq3A_183 : i1 to i32
      %cond3A_185 = arith.constant 0 : i32
      %cond3A_186 = arith.cmpi ne, %convert_element_type3A_184, %cond3A_185 : i32
      scf.if %cond3A_186 {
        %dma_start3A_194 = arith.constant 1 : i32
        %dma_start3A_195 = arith.constant 0 : i32
        %dma_start3A_196 = arith.constant 0 : i32
        %dma_start3A_197 = tpu.memref_slice %arg9[%arg1, %dma_start3A_194, %dma_start3A_195, %dma_start3A_196] : memref<16x3x16x1024xf32, #tpu.memory_space<vmem_shared>> -> memref<1x1x16x1024xf32, #tpu.memory_space<vmem_shared>>
        %dma_start3A_198 = tpu.memref_squeeze %dma_start3A_197 : memref<1x1x16x1024xf32, #tpu.memory_space<vmem_shared>> -> memref<16x1024xf32, #tpu.memory_space<vmem_shared>>
        %dma_start3A_199 = arith.constant 0 : i32
        %dma_start3A_200 = arith.constant 0 : i32
        %dma_start3A_201 = tpu.memref_slice %arg9[%arg1, %dma_start3A_194, %dma_start3A_199, %dma_start3A_200] : memref<16x3x16x1024xf32, #tpu.memory_space<vmem_shared>> -> memref<1x1x16x1024xf32, #tpu.memory_space<vmem_shared>>
        %dma_start3A_202 = tpu.memref_squeeze %dma_start3A_201 : memref<1x1x16x1024xf32, #tpu.memory_space<vmem_shared>> -> memref<16x1024xf32, #tpu.memory_space<vmem_shared>>
        tpu.enqueue_dma source(%arg7 : memref<16x1024xf32, #tpu.memory_space<vmem>>) target(%dma_start3A_202 : memref<16x1024xf32, #tpu.memory_space<vmem_shared>>) target_semaphore(%arg14 : memref<!tpu.dma_semaphore, #tpu.memory_space<semaphore_mem>>)
      } else {
      }
      %rem3A_187 = arith.constant 3 : i32
      %rem3A_188 = arith.remsi %scan3A_133, %rem3A_187 : i32
      %eq3A_189 = arith.constant 2 : i32
      %eq3A_190 = arith.cmpi eq, %rem3A_188, %eq3A_189 : i32
      %convert_element_type3A_191 = arith.extui %eq3A_190 : i1 to i32
      %cond3A_192 = arith.constant 0 : i32
      %cond3A_193 = arith.cmpi ne, %convert_element_type3A_191, %cond3A_192 : i32
      scf.if %cond3A_193 {
        %dma_start3A_194 = arith.constant 2 : i32
        %dma_start3A_195 = arith.constant 0 : i32
        %dma_start3A_196 = arith.constant 0 : i32
        %dma_start3A_197 = tpu.memref_slice %arg9[%arg1, %dma_start3A_194, %dma_start3A_195, %dma_start3A_196] : memref<16x3x16x1024xf32, #tpu.memory_space<vmem_shared>> -> memref<1x1x16x1024xf32, #tpu.memory_space<vmem_shared>>
        %dma_start3A_198 = tpu.memref_squeeze %dma_start3A_197 : memref<1x1x16x1024xf32, #tpu.memory_space<vmem_shared>> -> memref<16x1024xf32, #tpu.memory_space<vmem_shared>>
        %dma_start3A_199 = arith.constant 0 : i32
        %dma_start3A_200 = arith.constant 0 : i32
        %dma_start3A_201 = tpu.memref_slice %arg9[%arg1, %dma_start3A_194, %dma_start3A_199, %dma_start3A_200] : memref<16x3x16x1024xf32, #tpu.memory_space<vmem_shared>> -> memref<1x1x16x1024xf32, #tpu.memory_space<vmem_shared>>
        %dma_start3A_202 = tpu.memref_squeeze %dma_start3A_201 : memref<1x1x16x1024xf32, #tpu.memory_space<vmem_shared>> -> memref<16x1024xf32, #tpu.memory_space<vmem_shared>>
        tpu.enqueue_dma source(%arg8 : memref<16x1024xf32, #tpu.memory_space<vmem>>) target(%dma_start3A_202 : memref<16x1024xf32, #tpu.memory_space<vmem_shared>>) target_semaphore(%arg15 : memref<!tpu.dma_semaphore, #tpu.memory_space<semaphore_mem>>)
      } else {
      }
    }
    %scan3A_16 = arith.constant 64 : i32
    %rem3A = arith.constant 63 : i32
    %rem3A_17 = arith.constant 3 : i32
    %rem3A_18 = arith.remsi %rem3A, %rem3A_17 : i32
    %eq3A = arith.constant 0 : i32
    %eq3A_19 = arith.cmpi eq, %rem3A_18, %eq3A : i32
    %convert_element_type3A = arith.extui %eq3A_19 : i1 to i32
    %cond3A = arith.constant 0 : i32
    %cond3A_20 = arith.cmpi ne, %convert_element_type3A, %cond3A : i32
    scf.if %cond3A_20 {
      %dma_wait3A = arith.constant 0 : i32
      %dma_wait3A_133 = arith.constant 0 : i32
      %dma_wait3A_134 = arith.constant 0 : i32
      %dma_wait3A_135 = tpu.memref_slice %arg9[%arg1, %dma_wait3A, %dma_wait3A_133, %dma_wait3A_134] : memref<16x3x16x1024xf32, #tpu.memory_space<vmem_shared>> -> memref<1x1x16x1024xf32, #tpu.memory_space<vmem_shared>>
      %dma_wait3A_136 = tpu.memref_squeeze %dma_wait3A_135 : memref<1x1x16x1024xf32, #tpu.memory_space<vmem_shared>> -> memref<16x1024xf32, #tpu.memory_space<vmem_shared>>
      %dma_wait3A_137 = arith.constant 0 : i32
      %dma_wait3A_138 = arith.constant 0 : i32
      %dma_wait3A_139 = tpu.memref_slice %arg9[%arg1, %dma_wait3A, %dma_wait3A_137, %dma_wait3A_138] : memref<16x3x16x1024xf32, #tpu.memory_space<vmem_shared>> -> memref<1x1x16x1024xf32, #tpu.memory_space<vmem_shared>>
      %dma_wait3A_140 = tpu.memref_squeeze %dma_wait3A_139 : memref<1x1x16x1024xf32, #tpu.memory_space<vmem_shared>> -> memref<16x1024xf32, #tpu.memory_space<vmem_shared>>
      tpu.wait_dma2 semaphore(%arg13 : memref<!tpu.dma_semaphore, #tpu.memory_space<semaphore_mem>>) src(%arg6 : memref<16x1024xf32, #tpu.memory_space<vmem>>) dst(%dma_wait3A_140 : memref<16x1024xf32, #tpu.memory_space<vmem_shared>>)
    } else {
    }
    %rem3A_21 = arith.constant 63 : i32
    %rem3A_22 = arith.constant 3 : i32
    %rem3A_23 = arith.remsi %rem3A_21, %rem3A_22 : i32
    %eq3A_24 = arith.constant 1 : i32
    %eq3A_25 = arith.cmpi eq, %rem3A_23, %eq3A_24 : i32
    %convert_element_type3A_26 = arith.extui %eq3A_25 : i1 to i32
    %cond3A_27 = arith.constant 0 : i32
    %cond3A_28 = arith.cmpi ne, %convert_element_type3A_26, %cond3A_27 : i32
    scf.if %cond3A_28 {
      %dma_wait3A = arith.constant 1 : i32
      %dma_wait3A_133 = arith.constant 0 : i32
      %dma_wait3A_134 = arith.constant 0 : i32
      %dma_wait3A_135 = tpu.memref_slice %arg9[%arg1, %dma_wait3A, %dma_wait3A_133, %dma_wait3A_134] : memref<16x3x16x1024xf32, #tpu.memory_space<vmem_shared>> -> memref<1x1x16x1024xf32, #tpu.memory_space<vmem_shared>>
      %dma_wait3A_136 = tpu.memref_squeeze %dma_wait3A_135 : memref<1x1x16x1024xf32, #tpu.memory_space<vmem_shared>> -> memref<16x1024xf32, #tpu.memory_space<vmem_shared>>
      %dma_wait3A_137 = arith.constant 0 : i32
      %dma_wait3A_138 = arith.constant 0 : i32
      %dma_wait3A_139 = tpu.memref_slice %arg9[%arg1, %dma_wait3A, %dma_wait3A_137, %dma_wait3A_138] : memref<16x3x16x1024xf32, #tpu.memory_space<vmem_shared>> -> memref<1x1x16x1024xf32, #tpu.memory_space<vmem_shared>>
      %dma_wait3A_140 = tpu.memref_squeeze %dma_wait3A_139 : memref<1x1x16x1024xf32, #tpu.memory_space<vmem_shared>> -> memref<16x1024xf32, #tpu.memory_space<vmem_shared>>
      tpu.wait_dma2 semaphore(%arg14 : memref<!tpu.dma_semaphore, #tpu.memory_space<semaphore_mem>>) src(%arg7 : memref<16x1024xf32, #tpu.memory_space<vmem>>) dst(%dma_wait3A_140 : memref<16x1024xf32, #tpu.memory_space<vmem_shared>>)
    } else {
    }
    %rem3A_29 = arith.constant 63 : i32
    %rem3A_30 = arith.constant 3 : i32
    %rem3A_31 = arith.remsi %rem3A_29, %rem3A_30 : i32
    %eq3A_32 = arith.constant 2 : i32
    %eq3A_33 = arith.cmpi eq, %rem3A_31, %eq3A_32 : i32
    %convert_element_type3A_34 = arith.extui %eq3A_33 : i1 to i32
    %cond3A_35 = arith.constant 0 : i32
    %cond3A_36 = arith.cmpi ne, %convert_element_type3A_34, %cond3A_35 : i32
    scf.if %cond3A_36 {
      %dma_wait3A = arith.constant 2 : i32
      %dma_wait3A_133 = arith.constant 0 : i32
      %dma_wait3A_134 = arith.constant 0 : i32
      %dma_wait3A_135 = tpu.memref_slice %arg9[%arg1, %dma_wait3A, %dma_wait3A_133, %dma_wait3A_134] : memref<16x3x16x1024xf32, #tpu.memory_space<vmem_shared>> -> memref<1x1x16x1024xf32, #tpu.memory_space<vmem_shared>>
      %dma_wait3A_136 = tpu.memref_squeeze %dma_wait3A_135 : memref<1x1x16x1024xf32, #tpu.memory_space<vmem_shared>> -> memref<16x1024xf32, #tpu.memory_space<vmem_shared>>
      %dma_wait3A_137 = arith.constant 0 : i32
      %dma_wait3A_138 = arith.constant 0 : i32
      %dma_wait3A_139 = tpu.memref_slice %arg9[%arg1, %dma_wait3A, %dma_wait3A_137, %dma_wait3A_138] : memref<16x3x16x1024xf32, #tpu.memory_space<vmem_shared>> -> memref<1x1x16x1024xf32, #tpu.memory_space<vmem_shared>>
      %dma_wait3A_140 = tpu.memref_squeeze %dma_wait3A_139 : memref<1x1x16x1024xf32, #tpu.memory_space<vmem_shared>> -> memref<16x1024xf32, #tpu.memory_space<vmem_shared>>
      tpu.wait_dma2 semaphore(%arg15 : memref<!tpu.dma_semaphore, #tpu.memory_space<semaphore_mem>>) src(%arg8 : memref<16x1024xf32, #tpu.memory_space<vmem>>) dst(%dma_wait3A_140 : memref<16x1024xf32, #tpu.memory_space<vmem_shared>>)
    } else {
    }
    %rem3A_37 = arith.constant 63 : i32
    %rem3A_38 = arith.constant 3 : i32
    %rem3A_39 = arith.remsi %rem3A_37, %rem3A_38 : i32
    %eq3A_40 = arith.constant 0 : i32
    %eq3A_41 = arith.cmpi eq, %rem3A_39, %eq3A_40 : i32
    %convert_element_type3A_42 = arith.extui %eq3A_41 : i1 to i32
    %cond3A_43 = arith.constant 0 : i32
    %cond3A_44 = arith.cmpi ne, %convert_element_type3A_42, %cond3A_43 : i32
    scf.if %cond3A_44 {
      %add3A_133 = arith.constant 1008 : i32
      %add3A_134 = arith.addi %mul3A_2, %add3A_133 : i32
      %dma_start3A_135 = arith.constant 0 : i32
      %dma_start3A_136 = arith.constant 0 : i32
      %dma_start3A_137 = tpu.memref_slice %arg4[%add3A_134, %dma_start3A_136] : memref<32768x1024xf32, #tpu.memory_space<hbm>> -> memref<16x1024xf32, #tpu.memory_space<hbm>>
      %dma_start3A_138 = arith.constant 0 : i32
      %dma_start3A_139 = arith.constant 0 : i32
      %dma_start3A_140 = tpu.memref_slice %arg9[%arg1, %dma_start3A_135, %dma_start3A_138, %dma_start3A_139] : memref<16x3x16x1024xf32, #tpu.memory_space<vmem_shared>> -> memref<1x1x16x1024xf32, #tpu.memory_space<vmem_shared>>
      %dma_start3A_141 = tpu.memref_squeeze %dma_start3A_140 : memref<1x1x16x1024xf32, #tpu.memory_space<vmem_shared>> -> memref<16x1024xf32, #tpu.memory_space<vmem_shared>>
      tpu.enqueue_dma source(%dma_start3A_141 : memref<16x1024xf32, #tpu.memory_space<vmem_shared>>) target(%dma_start3A_137 : memref<16x1024xf32, #tpu.memory_space<hbm>>) target_semaphore(%arg16 : memref<!tpu.dma_semaphore, #tpu.memory_space<semaphore_mem>>)
    } else {
    }
    %rem3A_45 = arith.constant 63 : i32
    %rem3A_46 = arith.constant 3 : i32
    %rem3A_47 = arith.remsi %rem3A_45, %rem3A_46 : i32
    %eq3A_48 = arith.constant 1 : i32
    %eq3A_49 = arith.cmpi eq, %rem3A_47, %eq3A_48 : i32
    %convert_element_type3A_50 = arith.extui %eq3A_49 : i1 to i32
    %cond3A_51 = arith.constant 0 : i32
    %cond3A_52 = arith.cmpi ne, %convert_element_type3A_50, %cond3A_51 : i32
    scf.if %cond3A_52 {
      %add3A_133 = arith.constant 1008 : i32
      %add3A_134 = arith.addi %mul3A_2, %add3A_133 : i32
      %dma_start3A_135 = arith.constant 1 : i32
      %dma_start3A_136 = arith.constant 0 : i32
      %dma_start3A_137 = tpu.memref_slice %arg4[%add3A_134, %dma_start3A_136] : memref<32768x1024xf32, #tpu.memory_space<hbm>> -> memref<16x1024xf32, #tpu.memory_space<hbm>>
      %dma_start3A_138 = arith.constant 0 : i32
      %dma_start3A_139 = arith.constant 0 : i32
      %dma_start3A_140 = tpu.memref_slice %arg9[%arg1, %dma_start3A_135, %dma_start3A_138, %dma_start3A_139] : memref<16x3x16x1024xf32, #tpu.memory_space<vmem_shared>> -> memref<1x1x16x1024xf32, #tpu.memory_space<vmem_shared>>
      %dma_start3A_141 = tpu.memref_squeeze %dma_start3A_140 : memref<1x1x16x1024xf32, #tpu.memory_space<vmem_shared>> -> memref<16x1024xf32, #tpu.memory_space<vmem_shared>>
      tpu.enqueue_dma source(%dma_start3A_141 : memref<16x1024xf32, #tpu.memory_space<vmem_shared>>) target(%dma_start3A_137 : memref<16x1024xf32, #tpu.memory_space<hbm>>) target_semaphore(%arg17 : memref<!tpu.dma_semaphore, #tpu.memory_space<semaphore_mem>>)
    } else {
    }
    %rem3A_53 = arith.constant 63 : i32
    %rem3A_54 = arith.constant 3 : i32
    %rem3A_55 = arith.remsi %rem3A_53, %rem3A_54 : i32
    %eq3A_56 = arith.constant 2 : i32
    %eq3A_57 = arith.cmpi eq, %rem3A_55, %eq3A_56 : i32
    %convert_element_type3A_58 = arith.extui %eq3A_57 : i1 to i32
    %cond3A_59 = arith.constant 0 : i32
    %cond3A_60 = arith.cmpi ne, %convert_element_type3A_58, %cond3A_59 : i32
    scf.if %cond3A_60 {
      %add3A_133 = arith.constant 1008 : i32
      %add3A_134 = arith.addi %mul3A_2, %add3A_133 : i32
      %dma_start3A_135 = arith.constant 2 : i32
      %dma_start3A_136 = arith.constant 0 : i32
      %dma_start3A_137 = tpu.memref_slice %arg4[%add3A_134, %dma_start3A_136] : memref<32768x1024xf32, #tpu.memory_space<hbm>> -> memref<16x1024xf32, #tpu.memory_space<hbm>>
      %dma_start3A_138 = arith.constant 0 : i32
      %dma_start3A_139 = arith.constant 0 : i32
      %dma_start3A_140 = tpu.memref_slice %arg9[%arg1, %dma_start3A_135, %dma_start3A_138, %dma_start3A_139] : memref<16x3x16x1024xf32, #tpu.memory_space<vmem_shared>> -> memref<1x1x16x1024xf32, #tpu.memory_space<vmem_shared>>
      %dma_start3A_141 = tpu.memref_squeeze %dma_start3A_140 : memref<1x1x16x1024xf32, #tpu.memory_space<vmem_shared>> -> memref<16x1024xf32, #tpu.memory_space<vmem_shared>>
      tpu.enqueue_dma source(%dma_start3A_141 : memref<16x1024xf32, #tpu.memory_space<vmem_shared>>) target(%dma_start3A_137 : memref<16x1024xf32, #tpu.memory_space<hbm>>) target_semaphore(%arg18 : memref<!tpu.dma_semaphore, #tpu.memory_space<semaphore_mem>>)
    } else {
    }
    %rem3A_61 = arith.constant 61 : i32
    %rem3A_62 = arith.constant 3 : i32
    %rem3A_63 = arith.remsi %rem3A_61, %rem3A_62 : i32
    %eq3A_64 = arith.constant 0 : i32
    %eq3A_65 = arith.cmpi eq, %rem3A_63, %eq3A_64 : i32
    %convert_element_type3A_66 = arith.extui %eq3A_65 : i1 to i32
    %cond3A_67 = arith.constant 0 : i32
    %cond3A_68 = arith.cmpi ne, %convert_element_type3A_66, %cond3A_67 : i32
    scf.if %cond3A_68 {
      %add3A_133 = arith.constant 976 : i32
      %add3A_134 = arith.addi %mul3A_2, %add3A_133 : i32
      %dma_wait3A = arith.constant 0 : i32
      %dma_wait3A_135 = arith.constant 0 : i32
      %dma_wait3A_136 = tpu.memref_slice %arg4[%add3A_134, %dma_wait3A_135] : memref<32768x1024xf32, #tpu.memory_space<hbm>> -> memref<16x1024xf32, #tpu.memory_space<hbm>>
      %dma_wait3A_137 = arith.constant 0 : i32
      %dma_wait3A_138 = arith.constant 0 : i32
      %dma_wait3A_139 = tpu.memref_slice %arg9[%arg1, %dma_wait3A, %dma_wait3A_137, %dma_wait3A_138] : memref<16x3x16x1024xf32, #tpu.memory_space<vmem_shared>> -> memref<1x1x16x1024xf32, #tpu.memory_space<vmem_shared>>
      %dma_wait3A_140 = tpu.memref_squeeze %dma_wait3A_139 : memref<1x1x16x1024xf32, #tpu.memory_space<vmem_shared>> -> memref<16x1024xf32, #tpu.memory_space<vmem_shared>>
      tpu.wait_dma2 semaphore(%arg16 : memref<!tpu.dma_semaphore, #tpu.memory_space<semaphore_mem>>) src(%dma_wait3A_140 : memref<16x1024xf32, #tpu.memory_space<vmem_shared>>) dst(%dma_wait3A_136 : memref<16x1024xf32, #tpu.memory_space<hbm>>)
    } else {
    }
    %rem3A_69 = arith.constant 61 : i32
    %rem3A_70 = arith.constant 3 : i32
    %rem3A_71 = arith.remsi %rem3A_69, %rem3A_70 : i32
    %eq3A_72 = arith.constant 1 : i32
    %eq3A_73 = arith.cmpi eq, %rem3A_71, %eq3A_72 : i32
    %convert_element_type3A_74 = arith.extui %eq3A_73 : i1 to i32
    %cond3A_75 = arith.constant 0 : i32
    %cond3A_76 = arith.cmpi ne, %convert_element_type3A_74, %cond3A_75 : i32
    scf.if %cond3A_76 {
      %add3A_133 = arith.constant 976 : i32
      %add3A_134 = arith.addi %mul3A_2, %add3A_133 : i32
      %dma_wait3A = arith.constant 1 : i32
      %dma_wait3A_135 = arith.constant 0 : i32
      %dma_wait3A_136 = tpu.memref_slice %arg4[%add3A_134, %dma_wait3A_135] : memref<32768x1024xf32, #tpu.memory_space<hbm>> -> memref<16x1024xf32, #tpu.memory_space<hbm>>
      %dma_wait3A_137 = arith.constant 0 : i32
      %dma_wait3A_138 = arith.constant 0 : i32
      %dma_wait3A_139 = tpu.memref_slice %arg9[%arg1, %dma_wait3A, %dma_wait3A_137, %dma_wait3A_138] : memref<16x3x16x1024xf32, #tpu.memory_space<vmem_shared>> -> memref<1x1x16x1024xf32, #tpu.memory_space<vmem_shared>>
      %dma_wait3A_140 = tpu.memref_squeeze %dma_wait3A_139 : memref<1x1x16x1024xf32, #tpu.memory_space<vmem_shared>> -> memref<16x1024xf32, #tpu.memory_space<vmem_shared>>
      tpu.wait_dma2 semaphore(%arg17 : memref<!tpu.dma_semaphore, #tpu.memory_space<semaphore_mem>>) src(%dma_wait3A_140 : memref<16x1024xf32, #tpu.memory_space<vmem_shared>>) dst(%dma_wait3A_136 : memref<16x1024xf32, #tpu.memory_space<hbm>>)
    } else {
    }
    %rem3A_77 = arith.constant 61 : i32
    %rem3A_78 = arith.constant 3 : i32
    %rem3A_79 = arith.remsi %rem3A_77, %rem3A_78 : i32
    %eq3A_80 = arith.constant 2 : i32
    %eq3A_81 = arith.cmpi eq, %rem3A_79, %eq3A_80 : i32
    %convert_element_type3A_82 = arith.extui %eq3A_81 : i1 to i32
    %cond3A_83 = arith.constant 0 : i32
    %cond3A_84 = arith.cmpi ne, %convert_element_type3A_82, %cond3A_83 : i32
    scf.if %cond3A_84 {
      %add3A_133 = arith.constant 976 : i32
      %add3A_134 = arith.addi %mul3A_2, %add3A_133 : i32
      %dma_wait3A = arith.constant 2 : i32
      %dma_wait3A_135 = arith.constant 0 : i32
      %dma_wait3A_136 = tpu.memref_slice %arg4[%add3A_134, %dma_wait3A_135] : memref<32768x1024xf32, #tpu.memory_space<hbm>> -> memref<16x1024xf32, #tpu.memory_space<hbm>>
      %dma_wait3A_137 = arith.constant 0 : i32
      %dma_wait3A_138 = arith.constant 0 : i32
      %dma_wait3A_139 = tpu.memref_slice %arg9[%arg1, %dma_wait3A, %dma_wait3A_137, %dma_wait3A_138] : memref<16x3x16x1024xf32, #tpu.memory_space<vmem_shared>> -> memref<1x1x16x1024xf32, #tpu.memory_space<vmem_shared>>
      %dma_wait3A_140 = tpu.memref_squeeze %dma_wait3A_139 : memref<1x1x16x1024xf32, #tpu.memory_space<vmem_shared>> -> memref<16x1024xf32, #tpu.memory_space<vmem_shared>>
      tpu.wait_dma2 semaphore(%arg18 : memref<!tpu.dma_semaphore, #tpu.memory_space<semaphore_mem>>) src(%dma_wait3A_140 : memref<16x1024xf32, #tpu.memory_space<vmem_shared>>) dst(%dma_wait3A_136 : memref<16x1024xf32, #tpu.memory_space<hbm>>)
    } else {
    }
    %rem3A_85 = arith.constant 62 : i32
    %rem3A_86 = arith.constant 3 : i32
    %rem3A_87 = arith.remsi %rem3A_85, %rem3A_86 : i32
    %eq3A_88 = arith.constant 0 : i32
    %eq3A_89 = arith.cmpi eq, %rem3A_87, %eq3A_88 : i32
    %convert_element_type3A_90 = arith.extui %eq3A_89 : i1 to i32
    %cond3A_91 = arith.constant 0 : i32
    %cond3A_92 = arith.cmpi ne, %convert_element_type3A_90, %cond3A_91 : i32
    scf.if %cond3A_92 {
      %add3A_133 = arith.constant 992 : i32
      %add3A_134 = arith.addi %mul3A_2, %add3A_133 : i32
      %dma_wait3A = arith.constant 0 : i32
      %dma_wait3A_135 = arith.constant 0 : i32
      %dma_wait3A_136 = tpu.memref_slice %arg4[%add3A_134, %dma_wait3A_135] : memref<32768x1024xf32, #tpu.memory_space<hbm>> -> memref<16x1024xf32, #tpu.memory_space<hbm>>
      %dma_wait3A_137 = arith.constant 0 : i32
      %dma_wait3A_138 = arith.constant 0 : i32
      %dma_wait3A_139 = tpu.memref_slice %arg9[%arg1, %dma_wait3A, %dma_wait3A_137, %dma_wait3A_138] : memref<16x3x16x1024xf32, #tpu.memory_space<vmem_shared>> -> memref<1x1x16x1024xf32, #tpu.memory_space<vmem_shared>>
      %dma_wait3A_140 = tpu.memref_squeeze %dma_wait3A_139 : memref<1x1x16x1024xf32, #tpu.memory_space<vmem_shared>> -> memref<16x1024xf32, #tpu.memory_space<vmem_shared>>
      tpu.wait_dma2 semaphore(%arg16 : memref<!tpu.dma_semaphore, #tpu.memory_space<semaphore_mem>>) src(%dma_wait3A_140 : memref<16x1024xf32, #tpu.memory_space<vmem_shared>>) dst(%dma_wait3A_136 : memref<16x1024xf32, #tpu.memory_space<hbm>>)
    } else {
    }
    %rem3A_93 = arith.constant 62 : i32
    %rem3A_94 = arith.constant 3 : i32
    %rem3A_95 = arith.remsi %rem3A_93, %rem3A_94 : i32
    %eq3A_96 = arith.constant 1 : i32
    %eq3A_97 = arith.cmpi eq, %rem3A_95, %eq3A_96 : i32
    %convert_element_type3A_98 = arith.extui %eq3A_97 : i1 to i32
    %cond3A_99 = arith.constant 0 : i32
    %cond3A_100 = arith.cmpi ne, %convert_element_type3A_98, %cond3A_99 : i32
    scf.if %cond3A_100 {
      %add3A_133 = arith.constant 992 : i32
      %add3A_134 = arith.addi %mul3A_2, %add3A_133 : i32
      %dma_wait3A = arith.constant 1 : i32
      %dma_wait3A_135 = arith.constant 0 : i32
      %dma_wait3A_136 = tpu.memref_slice %arg4[%add3A_134, %dma_wait3A_135] : memref<32768x1024xf32, #tpu.memory_space<hbm>> -> memref<16x1024xf32, #tpu.memory_space<hbm>>
      %dma_wait3A_137 = arith.constant 0 : i32
      %dma_wait3A_138 = arith.constant 0 : i32
      %dma_wait3A_139 = tpu.memref_slice %arg9[%arg1, %dma_wait3A, %dma_wait3A_137, %dma_wait3A_138] : memref<16x3x16x1024xf32, #tpu.memory_space<vmem_shared>> -> memref<1x1x16x1024xf32, #tpu.memory_space<vmem_shared>>
      %dma_wait3A_140 = tpu.memref_squeeze %dma_wait3A_139 : memref<1x1x16x1024xf32, #tpu.memory_space<vmem_shared>> -> memref<16x1024xf32, #tpu.memory_space<vmem_shared>>
      tpu.wait_dma2 semaphore(%arg17 : memref<!tpu.dma_semaphore, #tpu.memory_space<semaphore_mem>>) src(%dma_wait3A_140 : memref<16x1024xf32, #tpu.memory_space<vmem_shared>>) dst(%dma_wait3A_136 : memref<16x1024xf32, #tpu.memory_space<hbm>>)
    } else {
    }
    %rem3A_101 = arith.constant 62 : i32
    %rem3A_102 = arith.constant 3 : i32
    %rem3A_103 = arith.remsi %rem3A_101, %rem3A_102 : i32
    %eq3A_104 = arith.constant 2 : i32
    %eq3A_105 = arith.cmpi eq, %rem3A_103, %eq3A_104 : i32
    %convert_element_type3A_106 = arith.extui %eq3A_105 : i1 to i32
    %cond3A_107 = arith.constant 0 : i32
    %cond3A_108 = arith.cmpi ne, %convert_element_type3A_106, %cond3A_107 : i32
    scf.if %cond3A_108 {
      %add3A_133 = arith.constant 992 : i32
      %add3A_134 = arith.addi %mul3A_2, %add3A_133 : i32
      %dma_wait3A = arith.constant 2 : i32
      %dma_wait3A_135 = arith.constant 0 : i32
      %dma_wait3A_136 = tpu.memref_slice %arg4[%add3A_134, %dma_wait3A_135] : memref<32768x1024xf32, #tpu.memory_space<hbm>> -> memref<16x1024xf32, #tpu.memory_space<hbm>>
      %dma_wait3A_137 = arith.constant 0 : i32
      %dma_wait3A_138 = arith.constant 0 : i32
      %dma_wait3A_139 = tpu.memref_slice %arg9[%arg1, %dma_wait3A, %dma_wait3A_137, %dma_wait3A_138] : memref<16x3x16x1024xf32, #tpu.memory_space<vmem_shared>> -> memref<1x1x16x1024xf32, #tpu.memory_space<vmem_shared>>
      %dma_wait3A_140 = tpu.memref_squeeze %dma_wait3A_139 : memref<1x1x16x1024xf32, #tpu.memory_space<vmem_shared>> -> memref<16x1024xf32, #tpu.memory_space<vmem_shared>>
      tpu.wait_dma2 semaphore(%arg18 : memref<!tpu.dma_semaphore, #tpu.memory_space<semaphore_mem>>) src(%dma_wait3A_140 : memref<16x1024xf32, #tpu.memory_space<vmem_shared>>) dst(%dma_wait3A_136 : memref<16x1024xf32, #tpu.memory_space<hbm>>)
    } else {
    }
    %rem3A_109 = arith.constant 63 : i32
    %rem3A_110 = arith.constant 3 : i32
    %rem3A_111 = arith.remsi %rem3A_109, %rem3A_110 : i32
    %eq3A_112 = arith.constant 0 : i32
    %eq3A_113 = arith.cmpi eq, %rem3A_111, %eq3A_112 : i32
    %convert_element_type3A_114 = arith.extui %eq3A_113 : i1 to i32
    %cond3A_115 = arith.constant 0 : i32
    %cond3A_116 = arith.cmpi ne, %convert_element_type3A_114, %cond3A_115 : i32
    scf.if %cond3A_116 {
      %add3A_133 = arith.constant 1008 : i32
      %add3A_134 = arith.addi %mul3A_2, %add3A_133 : i32
      %dma_wait3A = arith.constant 0 : i32
      %dma_wait3A_135 = arith.constant 0 : i32
      %dma_wait3A_136 = tpu.memref_slice %arg4[%add3A_134, %dma_wait3A_135] : memref<32768x1024xf32, #tpu.memory_space<hbm>> -> memref<16x1024xf32, #tpu.memory_space<hbm>>
      %dma_wait3A_137 = arith.constant 0 : i32
      %dma_wait3A_138 = arith.constant 0 : i32
      %dma_wait3A_139 = tpu.memref_slice %arg9[%arg1, %dma_wait3A, %dma_wait3A_137, %dma_wait3A_138] : memref<16x3x16x1024xf32, #tpu.memory_space<vmem_shared>> -> memref<1x1x16x1024xf32, #tpu.memory_space<vmem_shared>>
      %dma_wait3A_140 = tpu.memref_squeeze %dma_wait3A_139 : memref<1x1x16x1024xf32, #tpu.memory_space<vmem_shared>> -> memref<16x1024xf32, #tpu.memory_space<vmem_shared>>
      tpu.wait_dma2 semaphore(%arg16 : memref<!tpu.dma_semaphore, #tpu.memory_space<semaphore_mem>>) src(%dma_wait3A_140 : memref<16x1024xf32, #tpu.memory_space<vmem_shared>>) dst(%dma_wait3A_136 : memref<16x1024xf32, #tpu.memory_space<hbm>>)
    } else {
    }
    %rem3A_117 = arith.constant 63 : i32
    %rem3A_118 = arith.constant 3 : i32
    %rem3A_119 = arith.remsi %rem3A_117, %rem3A_118 : i32
    %eq3A_120 = arith.constant 1 : i32
    %eq3A_121 = arith.cmpi eq, %rem3A_119, %eq3A_120 : i32
    %convert_element_type3A_122 = arith.extui %eq3A_121 : i1 to i32
    %cond3A_123 = arith.constant 0 : i32
    %cond3A_124 = arith.cmpi ne, %convert_element_type3A_122, %cond3A_123 : i32
    scf.if %cond3A_124 {
      %add3A_133 = arith.constant 1008 : i32
      %add3A_134 = arith.addi %mul3A_2, %add3A_133 : i32
      %dma_wait3A = arith.constant 1 : i32
      %dma_wait3A_135 = arith.constant 0 : i32
      %dma_wait3A_136 = tpu.memref_slice %arg4[%add3A_134, %dma_wait3A_135] : memref<32768x1024xf32, #tpu.memory_space<hbm>> -> memref<16x1024xf32, #tpu.memory_space<hbm>>
      %dma_wait3A_137 = arith.constant 0 : i32
      %dma_wait3A_138 = arith.constant 0 : i32
      %dma_wait3A_139 = tpu.memref_slice %arg9[%arg1, %dma_wait3A, %dma_wait3A_137, %dma_wait3A_138] : memref<16x3x16x1024xf32, #tpu.memory_space<vmem_shared>> -> memref<1x1x16x1024xf32, #tpu.memory_space<vmem_shared>>
      %dma_wait3A_140 = tpu.memref_squeeze %dma_wait3A_139 : memref<1x1x16x1024xf32, #tpu.memory_space<vmem_shared>> -> memref<16x1024xf32, #tpu.memory_space<vmem_shared>>
      tpu.wait_dma2 semaphore(%arg17 : memref<!tpu.dma_semaphore, #tpu.memory_space<semaphore_mem>>) src(%dma_wait3A_140 : memref<16x1024xf32, #tpu.memory_space<vmem_shared>>) dst(%dma_wait3A_136 : memref<16x1024xf32, #tpu.memory_space<hbm>>)
    } else {
    }
    %rem3A_125 = arith.constant 63 : i32
    %rem3A_126 = arith.constant 3 : i32
    %rem3A_127 = arith.remsi %rem3A_125, %rem3A_126 : i32
    %eq3A_128 = arith.constant 2 : i32
    %eq3A_129 = arith.cmpi eq, %rem3A_127, %eq3A_128 : i32
    %convert_element_type3A_130 = arith.extui %eq3A_129 : i1 to i32
    %cond3A_131 = arith.constant 0 : i32
    %cond3A_132 = arith.cmpi ne, %convert_element_type3A_130, %cond3A_131 : i32
    scf.if %cond3A_132 {
      %add3A_133 = arith.constant 1008 : i32
      %add3A_134 = arith.addi %mul3A_2, %add3A_133 : i32
      %dma_wait3A = arith.constant 2 : i32
      %dma_wait3A_135 = arith.constant 0 : i32
      %dma_wait3A_136 = tpu.memref_slice %arg4[%add3A_134, %dma_wait3A_135] : memref<32768x1024xf32, #tpu.memory_space<hbm>> -> memref<16x1024xf32, #tpu.memory_space<hbm>>
      %dma_wait3A_137 = arith.constant 0 : i32
      %dma_wait3A_138 = arith.constant 0 : i32
      %dma_wait3A_139 = tpu.memref_slice %arg9[%arg1, %dma_wait3A, %dma_wait3A_137, %dma_wait3A_138] : memref<16x3x16x1024xf32, #tpu.memory_space<vmem_shared>> -> memref<1x1x16x1024xf32, #tpu.memory_space<vmem_shared>>
      %dma_wait3A_140 = tpu.memref_squeeze %dma_wait3A_139 : memref<1x1x16x1024xf32, #tpu.memory_space<vmem_shared>> -> memref<16x1024xf32, #tpu.memory_space<vmem_shared>>
      tpu.wait_dma2 semaphore(%arg18 : memref<!tpu.dma_semaphore, #tpu.memory_space<semaphore_mem>>) src(%dma_wait3A_140 : memref<16x1024xf32, #tpu.memory_space<vmem_shared>>) dst(%dma_wait3A_136 : memref<16x1024xf32, #tpu.memory_space<hbm>>)
    } else {
    }
    return
  }
}

</mosaic_0001>

<sc_bundles>
// kernel: _gather_rows.3.cloned.1.call-start
scs
__scs_entry_jumppad:
0x0: {  	(pc) =	sbr.rel $0x88, $3  }
0x1: {  	(tag) =	ssettag $0x0;
	lr =	simm.s32 $0x1  }
0x2: {  	[smem:$0x3F9F] =	sst lr;
	_ =	strace $0xD0000000  }
0x3: {  	_ = 	snop  }
0x4: {  	_ = 	snop  }
0x5: {  	_ = 	snop  }
0x6: {  	_ = 	snop  }
0x7: {  	_ = 	snop  }
__scs_overlays_trampoline_lowered:
0x8: {  	[smem:$0x3FAE] =	sst s0  }
0x9: {  	[smem:$0x3FAF] =	sst s1  }
0xa: {  	[smem:$0x3FB0] =	sst s2  }
0xb: {  	[smem:$0x3FB1] =	sst s3  }
0xc: {  	[smem:$0x3FB2] =	sst s4  }
0xd: {  	[smem:$0x3FB3] =	sst s5  }
0xe: {  	[smem:$0x3FB4] =	sst s6  }
0xf: {  	[smem:$0x3FB5] =	sst s7  }
0x10: {  	[smem:$0x3FB6] =	sst s8  }
0x11: {  	[smem:$0x3FB7] =	sst s9;
	s0 =	simm.s32 @!p0 $0x0  }
0x12: {  	s1 =	sld [smem:$0x3F9D];
	s0 =	simm.s32 @p0 $0x1  }
0x13: {  	[smem:$0x3FB8] =	sst s0;
	s0 =	simm.s32 @!p1 $0x0  }
0x14: {  	s2 =	sld [smem:$0x3F9C];
	s0 =	simm.s32 @p1 $0x1  }
0x15: {  	[smem:$0x3FB9] =	sst s0;
	s0 =	simm.s32 @!p2 $0x0  }
0x16: {  	s3 =	sld [smem:$0x3FDB];
	s0 =	simm.s32 @p2 $0x1  }
0x17: {  	s4 =	simm.s32 $0x1BF5;
	[smem:$0x3FBB] =	sst s0  }
0x18: {  	s0 =	sld [smem:$0x3F9E];
	_ =	swait.ge [sflag:s4], $0x0  }
0x19: {  	s7 =	sld [smem:$0x3F9F]  }
0x1a: {  	s8 =	sadd.s32 $0xFFFFE003, lr  }
0x1b: {  	s9 =	sadd.s32 $0xFFFFFEF7, lr;
	s5 =	simm.s32 $0xFFFFFFFF;
	p2 =	slt.u32 s8, $0xFFFFF086  }
0x1c: {  	p1 =	slt.u32 s9, $0xF7A;
	s5 =	simm.s32 @!p2 $0x0  }
0x1d: {  	s5 =	simm.s32 @p1 $0x1;
	p0 =	seq.s32 s7, s2  }
0x1e: {  	s7 =	smul.u32 @!p0 $0xF7A, s2;
	p2 =	seq.s32 @!p0 s5, $0x0  }
0x1f: {  	s9 =	smul.u32 $0xF7A, s1;
	s8 =	simm.s32 @!p0 $0x1BF5;
	p2 =	por !p2, p0  }
0x20: {  	[sflag:s8] =	ssyncset.s32 @!p0 $0xFFFFF086;
	s6 =	sadd.s32 @!p0 s3, s7;
	s7 =	simm.s32 @!p0 $0x108  }
0x21: {  	s3 =	sadd.s32 s3, s9;
	s6 =	sadd.s32 @!p0 $0x88, s6;
	s7 =	simm.s32 @p2 $0x1082  }
0x22: {  	[simem:s7], [sflag:s8] =	dma.local @!p0 [hbm:s6], $0xF7A  }
0x23: {  	s9 =	sor.u32 $0xD0000000, s2;
	s6 =	simm.s32 $0x108;
	_ =	swait.ge @!p0 [sflag:s8], $0x0  }
0x24: {  	s3 =	sadd.s32 $0x88, s3;
	s6 =	simm.s32 @!p1 $0x1082;
	[sflag:s4] =	ssyncset.s32 $0xFFFFF086  }
0x25: {  	[simem:s6], [sflag:s4] =	dma.local [hbm:s3], $0xF7A  }
0x26: {  	[smem:$0x3F9F] =	sst s1;
	(tag) =	ssettag s2;
	_ =	strace s9  }
0x27: {  	s1 =	sld [smem:$0x3FAF]  }
0x28: {  	s2 =	sld [smem:$0x3FB0]  }
0x29: {  	s4 =	sld [smem:$0x3FB2]  }
0x2a: {  	p0 =	seq.s32 s5, $0x0;
	s5 =	sld [smem:$0x3FB3]  }
0x2b: {  	s6 =	sld [smem:$0x3FB4]  }
0x2c: {  	s7 =	sld [smem:$0x3FB5]  }
0x2d: {  	s3 =	simm.s32 $0x108;
	s8 =	sld [smem:$0x3FB6]  }
0x2e: {  	s3 =	simm.s32 @!p0 $0x1082;
	s9 =	sld [smem:$0x3FB7]  }
0x2f: {  	lr =	sadd.s32 s0, s3;
	s0 =	sld [smem:$0x3FAE]  }
0x30: {  	s3 =	sld [smem:$0x3FB1]  }
0x31: {  	[smem:$0x3FBA] =	sst s10  }
0x32: {  	s10 =	sld [smem:$0x3FB8];
	_ =	sdelay $0x3  }
0x33: {  	p0 =	seq.s32 s10, $0x1;
	s10 =	sld [smem:$0x3FBA];
	_ =	sdelay $0x3  }
0x34: {  	[smem:$0x3FBA] =	sst s10  }
0x35: {  	s10 =	sld [smem:$0x3FB9];
	_ =	sdelay $0x3  }
0x36: {  	p1 =	seq.s32 s10, $0x1;
	s10 =	sld [smem:$0x3FBA];
	_ =	sdelay $0x3  }
0x37: {  	[smem:$0x3FBA] =	sst s10  }
0x38: {  	s10 =	sld [smem:$0x3FBB]  }
0x39: {  	_ = 	snop;
	(pc) =	sbr.ind lr, $3  }
0x3a: {  	_ = 	snop  }
0x3b: {  	_ = 	snop  }
0x3c: {  	p2 =	seq.s32 s10, $0x1;
	s10 =	sld [smem:$0x3FBA]  }
0x3d: {  	_ =	shalt  }
0x3e: {  	_ =	shalt  }
0x3f: {  	_ =	shalt  }
0x40: {  	_ =	shalt  }
0x41: {  	_ =	shalt  }
0x42: {  	_ =	shalt  }
0x43: {  	_ =	shalt  }
0x44: {  	_ =	shalt  }
0x45: {  	_ =	shalt  }
0x46: {  	_ =	shalt  }
0x47: {  	_ =	shalt  }
0x48: {  	_ =	shalt  }
0x49: {  	_ =	shalt  }
0x4a: {  	_ =	shalt  }
0x4b: {  	_ =	shalt  }
0x4c: {  	_ =	shalt  }
0x4d: {  	_ =	shalt  }
0x4e: {  	_ =	shalt  }
0x4f: {  	_ =	shalt  }
0x50: {  	_ =	shalt  }
0x51: {  	_ =	shalt  }
0x52: {  	_ =	shalt  }
0x53: {  	_ =	shalt  }
0x54: {  	_ =	shalt  }
0x55: {  	_ =	shalt  }
0x56: {  	_ =	shalt  }
0x57: {  	_ =	shalt  }
0x58: {  	_ =	shalt  }
0x59: {  	_ =	shalt  }
0x5a: {  	_ =	shalt  }
0x5b: {  	_ =	shalt  }
0x5c: {  	_ =	shalt  }
0x5d: {  	_ =	shalt  }
0x5e: {  	_ =	shalt  }
0x5f: {  	_ =	shalt  }
0x60: {  	_ =	shalt  }
0x61: {  	_ =	shalt  }
0x62: {  	_ =	shalt  }
0x63: {  	_ =	shalt  }
0x64: {  	_ =	shalt  }
0x65: {  	_ =	shalt  }
0x66: {  	_ =	shalt  }
0x67: {  	_ =	shalt  }
0x68: {  	_ =	shalt  }
0x69: {  	_ =	shalt  }
0x6a: {  	_ =	shalt  }
0x6b: {  	_ =	shalt  }
0x6c: {  	_ =	shalt  }
0x6d: {  	_ =	shalt  }
0x6e: {  	_ =	shalt  }
0x6f: {  	_ =	shalt  }
0x70: {  	_ =	shalt  }
0x71: {  	_ =	shalt  }
0x72: {  	_ =	shalt  }
0x73: {  	_ =	shalt  }
0x74: {  	_ =	shalt  }
0x75: {  	_ =	shalt  }
0x76: {  	_ =	shalt  }
0x77: {  	_ =	shalt  }
0x78: {  	_ =	shalt  }
0x79: {  	_ =	shalt  }
0x7a: {  	_ =	shalt  }
0x7b: {  	_ =	shalt  }
0x7c: {  	_ =	shalt  }
0x7d: {  	_ =	shalt  }
0x7e: {  	_ =	shalt  }
0x7f: {  	_ =	shalt  }
0x80: {  	_ =	shalt  }
0x81: {  	_ =	shalt  }
0x82: {  	_ =	shalt  }
0x83: {  	_ =	shalt  }
0x84: {  	_ =	shalt  }
0x85: {  	_ =	shalt  }
0x86: {  	_ =	shalt  }
0x87: {  	_ =	shalt  }
.Lfunc_end0:
.L_simem_size_0:
called_computation_lowered:
.L_overlay_start_0:
0x88: {  	s2 =	sld [smem:$0x3FD9]  }
0x89: {  	s3 =	sld [smem:$0x3FFE];
	_ =	sdelay $0x1  }
0x8a: {  	s1 =	srdreg.scid  }
0x8b: {  	s0 =	sand.u32 $0x1, s1  }
0x8c: {  	s18 =	sshll.u32 s0, $0xA;
	s2 =	sadd.s32 s3, s2  }
0x8d: {  	s2 =	sadd.s32 s2, s18  }
0x8e: {  	[smem:$0x3FC6] =	sst s2  }
0x8f: {  	_ = 	snop  }
0x90: {  	s2 =	sld [smem:$0x3FC9]  }
0x91: {  	s19 =	sld [smem:$0x3FC8]  }
0x92: {  	s4 =	sld [smem:$0x3FD0];
	(tm) =	ssettm $0x1  }
0x93: {  	s5 =	sld [smem:$0x3FFB];
	_ =	sdelay $0x3  }
0x94: {  	_ =	strace s5  }
0x95: {  	s5 =	sld [smem:$0x3FFC];
	_ =	sdelay $0x3  }
0x96: {  	_ =	strace s5  }
0x97: {  	s5 =	sld [smem:$0x3FFD];
	_ =	sdelay $0x3  }
0x98: {  	_ =	strace s5  }
0x99: {  	_ =	strace $0x8FFFFFFF  }
0x9a: {  	s20 =	sld [smem:$0x3FDB];
	_ =	sdelay $0x1  }
0x9b: {  	s6 =	simm.s32 $_scs_section_size  }
0x9c: {  	s7 =	simm.s32 $_size__tile_overlayer_lowered;
	s8 =	simm.s32 $_tile_overlayer_lowered  }
0x9d: {  	s23 =	simm.s32 $0x1BFF;
	s22 =	sshll.u32 s8, $0x1;
	s5 =	sadd.s32 s6, s20  }
0x9e: {  	s9 =	simm.s32 $0x0;
	s21 =	sshll.u32 s7, $0x1;
	s7 =	sadd.s32 s22, s5  }
0x9f: {  	[timem:s9], [sflag:s23] =	dma.local [hbm:s7], s21  }
0xa0: {  	_ =	swait.ge [sflag:s23], s21  }
0xa1: {  	s6 =	ssub.s32 $0x0, s21;
	[sflag:s23] =	ssyncset.done $0x0  }
0xa2: {  	[sflag:s23] =	ssyncadd.s32 s6;
	_ =	sdelay $0x1  }
0xa3: {  	s24 =	simm.s32 $0x1B8B  }
0xa4: {  	_ =	swait.ge [sflag:s24], $0x1  }
0xa5: {  	[sflag:s24] =	ssyncset.done $0x0  }
0xa6: {  	s25 =	simm.s32 $0x1B8E;
	[sflag:s24] =	ssyncadd.s32 $0xFFFFFFFF  }
0xa7: {  	s26 =	simm.s32 $execute0_lowered;
	[smem:$0x3FD2] =	sst s25  }
0xa8: {  	s6 =	sshll.u32 s26, $0x1;
	_ =	strace $0x80000046;
	[dreg:$0x1] =	wrdreg $0xFFFFFFFF  }
0xa9: {  	s28 =	simm.s32 $_size_execute0_lowered;
	s5 =	sadd.s32 s5, s6;
	[dreg:$0x0] =	wrdreg $0x0  }
0xaa: {  	s6 =	sshll.u32 s28, $0x1;
	[dreg:$0x2] =	wrdreg s5  }
0xab: {  	[dreg:$0x3] =	wrdreg s6  }
0xac: {  	[dreg:$0x4] =	wrdreg $0xC0  }
0xad: {  	_ =	task [dreg:s9], $0x5FFFF  }
0xae: {  	[dreg:$0x1] =	wrdreg $0xFFFFFFFF  }
0xaf: {  	[dreg:$0x0] =	wrdreg $0x60  }
0xb0: {  	[dreg:$0x2] =	wrdreg s2  }
0xb1: {  	[dreg:$0x3] =	wrdreg s19  }
0xb2: {  	[dreg:$0x4] =	wrdreg s4  }
0xb3: {  	[dreg:$0x5] =	wrdreg $0xC4000  }
0xb4: {  	[dreg:$0x6] =	wrdreg $0x9  }
0xb5: {  	_ =	task.clear_ibuf [dreg:s9], $0x7FFFF;
	_ =	strace $0x90000046  }
0xb6: {  	s29 =	simm.s32 $0x9;
	_ =	strace $0x80000048  }
0xb7: {  	_ =	swait.ge [sflag:s29], $0x1  }
0xb8: {  	[sflag:s29] =	ssyncadd.s32 $0xFFFFFFFF  }
0xb9: {  	_ =	strace $0x90000048  }
0xba: {  	_ =	sfence  }
0xbb: {  	s30 =	sld [smem:$0x0];
	_ =	sdelay $0x2  }
0xbc: {  	s31 =	sshll.u32 s1, $0xD;
	s1 =	sshrl.u32 s1, $0x2  }
0xbd: {  	s3 =	sand.u32 $0x4000, s31;
	s1 =	sadd.s32 s1, s30  }
0xbe: {  	s0 =	sor.u32 s3, s0;
	s1 =	sshll.u32 s1, $0x11  }
0xbf: {  	s0 =	sor.u32 s1, s0  }
0xc0: {  	s0 =	sadd.s32 $0x8F2B, s0  }
0xc1: {  	[sflag:s0] =	ssyncadd.remote.s32 $0x1  }
0xc2: {  	_ =	sfence.sel $0xFFFF  }
0xc3: {  	[dreg:$0x0] =	wrdreg $0xFFFFFFFF;
	(pc) =	sbr.abs _section_cstart, $3  }
0xc4: {  	[dreg:$0x1] =	wrdreg $0xFFFFFFFF  }
0xc5: {  	_ =	task.clear_ibuf [dreg:s9], $0x2FFFF;
	_ =	strace $0x9FFFFFFF  }
0xc6: {  	(tm) =	ssettm $0x7FFFFFFF  }
0xc7: {  	_ =	shalt  }
tec
execute0_lowered:
.L_overlay_start_1:
0x0: {  	(tag) =	ssettag $0x1  }
0x1: {  	s0 =	rddreg [dreg:$0x0]  }
0x2: {  	s1 =	rddreg [dreg:$0x1]  }
0x3: {  	s2 =	rddreg [dreg:$0x2]  }
0x4: {  	s5 =	rddreg [dreg:$0x3];
	s3 =	srdreg.scid  }
0x5: {  	s4 =	simm.s32 $0x0;
	s28 =	simm.s32 $0x5C00;
	s29 =	simm.s32 $0x6400  }
0x6: {  	s30 =	simm.s32 $0x6C00;
	s31 =	simm.s32 $0x7400;
	s14 =	simm.s32 $0x8C00  }
0x7: {  	s15 =	simm.s32 $0x9400;
	s16 =	simm.s32 $0xAC00;
	s17 =	simm.s32 $0xB400  }
0x8: {  	s18 =	simm.s32 $0xBC00;
	s11 =	sand.u32 $0x1, s3;
	s3 =	stileid.u32  }
0x9: {  	[smem:$0x7FF] =	sst s4;
	s6 =	ssub.s32 $0x2, s11;
	s7 =	sshll.u32 s3, $0xB  }
0xa: {  	s8 =	sshll.u32 s11, $0xA;
	s9 =	smul.u32 $0x30000, s3;
	_ =	strace $0x80000047  }
0xb: {  	s22 =	sshll.u32 s3, $0x15;
	s23 =	sshll.u32 s11, $0x14;
	s10 =	sshrl.u32 s6, $0x1  }
0xc: {  	s12 =	sor.u32 s8, s7;
	s8 =	sadd.s32 $0x200, s1;
	s13 =	ssub.s32 s6, s10  }
0xd: {  	s19 =	sshrl.u32 s12, $0x3;
	s20 =	sshrl.u32 s9, $0x2;
	s6 =	sadd.s32 $0x100, s1  }
0xe: {  	s9 =	sadd.s32 $0x300, s1;
	s21 =	sshll.u32 s12, $0x7;
	s12 =	simm.s32 $0xA400  }
0xf: {  	s0 =	sadd.s32 s0, s19;
	s7 =	sadd.s32 s20, s5;
	s5 =	sor.u32 s23, s22  }
.Ltmp0:
0x10: {  	s24 =	smax.u32 s13, $0x1;
	s13 =	simm.s32 $0x8400;
	(pc) =	sbr.rel .LBB2_1-.Ltmp0, $4  }
0x11: {  	s19 =	simm.s32 $0x0;
	[dreg:$0x5] =	wrdreg s0;
	s10 =	sadd.s32 $0x4000, s7  }
0x12: {  	v2 =	vlaneseq.u32;
	s0 =	sadd.s32 s21, s2;
	[dreg:$0x7] =	wrdreg s24;
	s26 =	sadd.s32 $0xFFFFC000, s5  }
0x13: {  	vm0 =	vmmov $0xffff;
	v1 =	vshrl.u32 v2, $0x3;
	s25 =	sadd.s32 $0x8000, s7;
	s0 =	sadd.s32 $0x1F800, s0;
	[dreg:$0x8] =	wrdreg s26  }
0x14: {  	v0 =	vand.u32 $0x7, v2;
	v2 =	vor.u32 $0x8, v2;
	v1 =	vmul.u32 $0x8, v1;
	s5 =	simm.s32 $0x9C00;
	[dreg:$0x6] =	wrdreg s0;
	s0 =	simm.s32 $0x7C00  }
.LBB2_12:
0x15: {  	s20 =	simm.s32 $0x4  }
0x16: {  	s11 =	sshll.u32 s3, $0x6;
	_ =	swait.ge [sflag:s20], $0x4000  }
0x17: {  	s26 =	sshrl.u32 s7, $0x3;
	s22 =	simm.s32 $0x8;
	[sflag:s20] =	ssyncset.done $0x0  }
0x18: {  	s11 =	sor.u32 $0x1C07, s11;
	s21 =	rddreg [dreg:$0x6];
	[sflag:s20] =	ssyncadd.s32 $0xFFFFC000  }
0x19: {  	[hbm:s21], [sflag:s11] =	dma.local [spmem:s26], $0x800  }
0x1a: {  	_ =	swait.ge [sflag:s22], $0x800  }
0x1b: {  	[sflag:s22] =	ssyncset.done $0x0  }
0x1c: {  	s23 =	simm.s32 $0x9;
	[sflag:s22] =	ssyncadd.s32 $0xFFFFF800  }
0x1d: {  	_ =	swait.ge [sflag:s23], $0x800  }
0x1e: {  	[sflag:s23] =	ssyncset.done $0x0  }
0x1f: {  	s24 =	simm.s32 $0x7;
	[sflag:s23] =	ssyncadd.s32 $0xFFFFF800  }
0x20: {  	_ =	swait.ge [sflag:s24], $0x800  }
0x21: {  	s19 =	sadd.s32 $0x1, s19;
	s26 =	rddreg [dreg:$0x7]  }
0x22: {  	p0 =	sne.s32 s19, s26  }
.Ltmp1:
0x23: {  	_ = 	snop;
	(pc) =	sbr.rel @!p0 .LBB2_13-.Ltmp1, $3  }
0x24: {  	_ =	sdelay $0x1  }
0x25: {  	[sflag:s24] =	ssyncset.done $0x0  }
0x26: {  	[sflag:s24] =	ssyncadd.s32 $0xFFFFF800  }
.LBB2_1:
0x27: {  	s11 =	rddreg [dreg:$0x5];
	s20 =	simm.s32 $0xA  }
0x28: {  	[tilespmem:s4], [sflag:$0xA] =	stream.linear.gather [hbm4b:s11+s4], $0x400, $0x38;
	[tilespmem:$0x18400] =	vst v63  }
0x29: {  	_ =	swait.ge [sflag:s20], $0x400  }
0x2a: {  	[sflag:s20] =	ssyncset.done $0x0  }
0x2b: {  	[sflag:s20] =	ssyncadd.s32 $0xFFFFFC00  }
0x2c: {  	v3 =	vld [tilespmem:$0x0];
	_ =	sdelay $0x4  }
0x2d: {  	v4 =	vshll.u32 v3, $0x3  }
0x2e: {  	v3 =	vand.u32 $0x7, v3;
	v4 =	vand.u32 $0xFFFFFFC0, v4  }
0x2f: {  	v3 =	vor.u32 v3, v4  }
0x30: {  	v4 =	vperm.xlane v3, v0;
	_ =	sdelay $0x1  }
0x31: {  	v4 =	vadd.s32 v1, v4;
	_ =	sdelay $0x3  }
0x32: {  	s21 =	simm.s32 $0x400  }
0x33: {  	[tilespmem:s21], [sflag:$0x1] =	stream.indirect_vreg.gather [hbm4b:s1+s4], $0x80, v4, vm0, $0xb8;
	[tilespmem:$0x18400] =	vst v63  }
0x34: {  	s22 =	simm.s32 $0xC00;
	v3 =	vperm.xlane v3, v2  }
0x35: {  	[tilespmem:s22], [sflag:$0x1] =	stream.indirect_vreg.gather [hbm4b:s6+s4], $0x80, v4, vm0, $0xb8;
	[tilespmem:$0x18400] =	vst v63  }
0x36: {  	s23 =	simm.s32 $0x1400;
	v3 =	vadd.s32 v1, v3  }
0x37: {  	[tilespmem:s23], [sflag:$0x1] =	stream.indirect_vreg.gather [hbm4b:s8+s4], $0x80, v4, vm0, $0xb8;
	[tilespmem:$0x18400] =	vst v63  }
0x38: {  	s24 =	simm.s32 $0x1C00  }
0x39: {  	[tilespmem:s24], [sflag:$0x1] =	stream.indirect_vreg.gather [hbm4b:s9+s4], $0x80, v4, vm0, $0xb8;
	[tilespmem:$0x18400] =	vst v63  }
0x3a: {  	s26 =	simm.s32 $0x2400  }
0x3b: {  	[tilespmem:s26], [sflag:$0x1] =	stream.indirect_vreg.gather [hbm4b:s1+s4], $0x80, v3, vm0, $0xb8;
	[tilespmem:$0x18400] =	vst v63  }
0x3c: {  	s20 =	simm.s32 $0x2C00  }
0x3d: {  	[tilespmem:s20], [sflag:$0x1] =	stream.indirect_vreg.gather [hbm4b:s6+s4], $0x80, v3, vm0, $0xb8;
	[tilespmem:$0x18400] =	vst v63  }
0x3e: {  	s21 =	simm.s32 $0x3400  }
0x3f: {  	[tilespmem:s21], [sflag:$0x1] =	stream.indirect_vreg.gather [hbm4b:s8+s4], $0x80, v3, vm0, $0xb8;
	[tilespmem:$0x18400] =	vst v63  }
0x40: {  	s22 =	simm.s32 $0x3C00  }
0x41: {  	[tilespmem:s22], [sflag:$0x1] =	stream.indirect_vreg.gather [hbm4b:s9+s4], $0x80, v3, vm0, $0xb8;
	[tilespmem:$0x18400] =	vst v63  }
0x42: {  	v3 =	vld [tilespmem:$0x10];
	_ =	sdelay $0x4  }
0x43: {  	v63 =	vshll.u32 v3, $0x3  }
0x44: {  	v3 =	vand.u32 $0x7, v3;
	v4 =	vand.u32 $0xFFFFFFC0, v63  }
0x45: {  	v3 =	vor.u32 v3, v4  }
0x46: {  	v4 =	vperm.xlane v3, v0;
	_ =	sdelay $0x1  }
0x47: {  	v4 =	vadd.s32 v1, v4;
	_ =	sdelay $0x3  }
0x48: {  	s23 =	simm.s32 $0x4400  }
0x49: {  	[tilespmem:s23], [sflag:$0x2] =	stream.indirect_vreg.gather [hbm4b:s1+s4], $0x80, v4, vm0, $0xb8;
	[tilespmem:$0x18400] =	vst v63  }
0x4a: {  	s24 =	simm.s32 $0x4C00;
	v3 =	vperm.xlane v3, v2  }
0x4b: {  	[tilespmem:s24], [sflag:$0x2] =	stream.indirect_vreg.gather [hbm4b:s6+s4], $0x80, v4, vm0, $0xb8;
	[tilespmem:$0x18400] =	vst v63  }
0x4c: {  	s26 =	simm.s32 $0x5400;
	v3 =	vadd.s32 v1, v3  }
0x4d: {  	[tilespmem:s26], [sflag:$0x2] =	stream.indirect_vreg.gather [hbm4b:s8+s4], $0x80, v4, vm0, $0xb8;
	[tilespmem:$0x18400] =	vst v63  }
0x4e: {  	_ = 	snop  }
0x4f: {  	[tilespmem:s28], [sflag:$0x2] =	stream.indirect_vreg.gather [hbm4b:s9+s4], $0x80, v4, vm0, $0xb8;
	[tilespmem:$0x18400] =	vst v63  }
0x50: {  	_ = 	snop  }
0x51: {  	[tilespmem:s29], [sflag:$0x2] =	stream.indirect_vreg.gather [hbm4b:s1+s4], $0x80, v3, vm0, $0xb8;
	[tilespmem:$0x18400] =	vst v63  }
0x52: {  	_ = 	snop  }
0x53: {  	[tilespmem:s30], [sflag:$0x2] =	stream.indirect_vreg.gather [hbm4b:s6+s4], $0x80, v3, vm0, $0xb8;
	[tilespmem:$0x18400] =	vst v63  }
.Ltmp2:
0x54: {  	_ = 	snop;
	(pc) =	sbr.rel .LBB2_2-.Ltmp2, $4  }
0x55: {  	_ = 	snop  }
0x56: {  	[tilespmem:s31], [sflag:$0x2] =	stream.indirect_vreg.gather [hbm4b:s8+s4], $0x80, v3, vm0, $0xb8;
	[tilespmem:$0x18400] =	vst v63  }
0x57: {  	s20 =	simm.s32 $0x20;
	s21 =	rddreg [dreg:$0x8];
	s22 =	simm.s32 $0x0  }
0x58: {  	[tilespmem:s0], [sflag:$0x2] =	stream.indirect_vreg.gather [hbm4b:s9+s4], $0x80, v3, vm0, $0xb8;
	[tilespmem:$0x18400] =	vst v63  }
.LBB2_9:
0x59: {  	s23 =	simm.s32 $0x2  }
.LBB2_10:
0x5a: {  	s11 =	sshll.u32 s23, $0x4  }
0x5b: {  	s11 =	sand.u32 $0x3FFFFFF0, s11  }
0x5c: {  	v3 =	vld [tilespmem:s11+$0x0];
	_ =	sdelay $0x4  }
0x5d: {  	v4 =	vshll.u32 v3, $0x3  }
0x5e: {  	v3 =	vand.u32 $0x7, v3;
	v4 =	vand.u32 $0xFFFFFFC0, v4  }
0x5f: {  	v3 =	vor.u32 v3, v4  }
0x60: {  	v4 =	vperm.xlane v3, v0;
	_ =	sdelay $0x1  }
0x61: {  	v4 =	vadd.s32 v1, v4;
	_ =	sdelay $0x4  }
0x62: {  	[tilespmem:s13], [sflag:$0x3] =	stream.indirect_vreg.gather [hbm4b:s1+s4], $0x80, v4, vm0, $0xb8;
	[tilespmem:$0x18400] =	vst v63  }
0x63: {  	v3 =	vperm.xlane v3, v2  }
0x64: {  	[tilespmem:s14], [sflag:$0x3] =	stream.indirect_vreg.gather [hbm4b:s6+s4], $0x80, v4, vm0, $0xb8;
	[tilespmem:$0x18400] =	vst v63  }
0x65: {  	v3 =	vadd.s32 v1, v3  }
0x66: {  	[tilespmem:s15], [sflag:$0x3] =	stream.indirect_vreg.gather [hbm4b:s8+s4], $0x80, v4, vm0, $0xb8;
	[tilespmem:$0x18400] =	vst v63  }
0x67: {  	_ = 	snop  }
0x68: {  	[tilespmem:s5], [sflag:$0x3] =	stream.indirect_vreg.gather [hbm4b:s9+s4], $0x80, v4, vm0, $0xb8;
	[tilespmem:$0x18400] =	vst v63  }
0x69: {  	_ = 	snop  }
0x6a: {  	[tilespmem:s12], [sflag:$0x3] =	stream.indirect_vreg.gather [hbm4b:s1+s4], $0x80, v3, vm0, $0xb8;
	[tilespmem:$0x18400] =	vst v63  }
0x6b: {  	_ = 	snop  }
0x6c: {  	[tilespmem:s16], [sflag:$0x3] =	stream.indirect_vreg.gather [hbm4b:s6+s4], $0x80, v3, vm0, $0xb8;
	[tilespmem:$0x18400] =	vst v63  }
0x6d: {  	_ = 	snop  }
0x6e: {  	[tilespmem:s17], [sflag:$0x3] =	stream.indirect_vreg.gather [hbm4b:s8+s4], $0x80, v3, vm0, $0xb8;
	[tilespmem:$0x18400] =	vst v63  }
0x6f: {  	_ = 	snop  }
0x70: {  	[tilespmem:s18], [sflag:$0x3] =	stream.indirect_vreg.gather [hbm4b:s9+s4], $0x80, v3, vm0, $0xb8;
	[tilespmem:$0x18400] =	vst v63  }
.LBB2_11:
0x71: {  	s11 =	smul.u32 $0xAB, s22;
	_ =	sdelay $0x1  }
0x72: {  	s11 =	sshrl.u32 s11, $0x9  }
0x73: {  	s11 =	sand.u32 $0x7F, s11  }
0x74: {  	s11 =	smul.u32 $0x3, s11;
	_ =	sdelay $0x1  }
0x75: {  	s11 =	ssub.s32 s22, s11  }
0x76: {  	s11 =	sand.u32 $0xFF, s11  }
0x77: {  	p0 =	seq.s32 s11, $0x0  }
0x78: {  	s23 =	simm.s32 @p0 $0x1  }
0x79: {  	p1 =	sne.s32 @!p0 s11, $0x1;
	_ =	swait.ge @p0 [sflag:s23], $0x4000  }
0x7a: {  	p2 =	por !p1, p0;
	[sflag:s23] =	ssyncset.done @p0 $0x0  }
0x7b: {  	s11 =	simm.s32 @!p2 $0x3;
	[sflag:s23] =	ssyncadd.s32 @p0 $0xFFFFC000;
	s23 =	simm.s32 @p0 $0x400  }
0x7c: {  	[spmem:s7] =	stream.linear.scatter @p0 [tilespmem:s23], [sflag:$0x4], $0x4000, $0x38;
	[tilespmem:$0x18400] =	vst v63  }
0x7d: {  	_ =	swait.ge @!p2 [sflag:s11], $0x4000  }
0x7e: {  	[sflag:s11] =	ssyncset.done @!p2 $0x0  }
0x7f: {  	p0 =	por p1, p0;
	[sflag:s11] =	ssyncadd.s32 @!p2 $0xFFFFC000;
	s11 =	simm.s32 @!p2 $0x8400  }
0x80: {  	[spmem:s25] =	stream.linear.scatter @!p2 [tilespmem:s11], [sflag:$0x6], $0x4000, $0x38;
	[tilespmem:$0x18400] =	vst v63  }
0x81: {  	s11 =	simm.s32 @!p0 $0x2  }
0x82: {  	_ =	swait.ge @!p0 [sflag:s11], $0x4000  }
0x83: {  	[sflag:s11] =	ssyncset.done @!p0 $0x0  }
0x84: {  	s22 =	sadd.s32 $0x1, s22;
	[sflag:s11] =	ssyncadd.s32 @!p0 $0xFFFFC000;
	s11 =	simm.s32 @!p0 $0x4400  }
0x85: {  	[spmem:s10] =	stream.linear.scatter @!p0 [tilespmem:s11], [sflag:$0x5], $0x4000, $0x38;
	[tilespmem:$0x18400] =	vst v63  }
0x86: {  	p0 =	sne.s32 s22, $0x40  }
.Ltmp3:
0x87: {  	_ = 	snop;
	(pc) =	sbr.rel @!p0 .LBB2_12-.Ltmp3, $2  }
0x88: {  	_ =	sdelay $0x2  }
0x89: {  	s20 =	sadd.s32 $0x10, s20;
	s21 =	sadd.s32 $0x4000, s21  }
.LBB2_2:
0x8a: {  	p0 =	slt.u32 s22, $0x3  }
.Ltmp4:
0x8b: {  	_ = 	snop;
	(pc) =	sbr.rel @p0 .LBB2_8-.Ltmp4, $1  }
0x8c: {  	_ =	sdelay $0x3  }
0x8d: {  	s23 =	sadd.s32 $0xFFFFFFFD, s22  }
0x8e: {  	s24 =	sand.u32 $0xFF, s23  }
0x8f: {  	s24 =	smul.u32 $0xAB, s24;
	_ =	sdelay $0x1  }
0x90: {  	s24 =	sshrl.u32 s24, $0x9  }
0x91: {  	s24 =	smul.u32 $0x3, s24;
	_ =	sdelay $0x1  }
0x92: {  	s23 =	ssub.s32 s23, s24  }
0x93: {  	s23 =	sand.u32 $0xFF, s23  }
0x94: {  	p0 =	seq.s32 s23, $0x0  }
0x95: {  	p1 =	seq.s32 @!p0 s23, $0x2  }
0x96: {  	p1 =	por !p1, p0  }
0x97: {  	s23 =	simm.s32 @!p1 $0x9  }
.Ltmp5:
0x98: {  	s23 =	simm.s32 @p1 $0x8;
	(pc) =	sbr.rel .LBB2_4-.Ltmp5, $4  }
0x99: {  	s23 =	simm.s32 @p0 $0x7  }
0x9a: {  	_ =	swait.ge [sflag:s23], $0x800  }
0x9b: {  	[sflag:s23] =	ssyncset.done $0x0  }
0x9c: {  	[sflag:s23] =	ssyncadd.s32 $0xFFFFF800  }
.LBB2_8:
0x9d: {  	p0 =	seq.s32 s22, $0x0  }
.Ltmp6:
0x9e: {  	_ = 	snop;
	(pc) =	sbr.rel @p0 .LBB2_9-.Ltmp6, $1  }
0x9f: {  	_ =	sdelay $0x3  }
.LBB2_4:
0xa0: {  	s23 =	sadd.s32 $0xFFFFFFFF, s22  }
0xa1: {  	s24 =	sand.u32 $0xFF, s23  }
0xa2: {  	s24 =	smul.u32 $0xAB, s24;
	_ =	sdelay $0x1  }
0xa3: {  	s24 =	sshrl.u32 s24, $0x9  }
0xa4: {  	s24 =	smul.u32 $0x3, s24;
	_ =	sdelay $0x1  }
0xa5: {  	s23 =	ssub.s32 s23, s24  }
0xa6: {  	s23 =	sand.u32 $0xFF, s23  }
0xa7: {  	p0 =	seq.s32 s23, $0x1  }
0xa8: {  	p1 =	sne.s32 @!p0 s23, $0x0  }
0xa9: {  	s11 =	smov.u32 s25;
	p1 =	por !p1, p0  }
0xaa: {  	s23 =	simm.s32 @!p1 $0x6;
	s24 =	simm.s32 @!p1 $0x9;
	s11 =	smov.u32 @p1 s7  }
0xab: {  	s23 =	simm.s32 @p1 $0x4;
	s24 =	simm.s32 @p1 $0x7;
	s11 =	smov.u32 @p0 s10  }
0xac: {  	s23 =	simm.s32 @p0 $0x5;
	s24 =	simm.s32 @p0 $0x8;
	p0 =	sgt.u32 s22, $0x3D  }
.Ltmp7:
0xad: {  	_ =	swait.ge [sflag:s23], $0x4000;
	(pc) =	sbr.rel @p0 .LBB2_11-.Ltmp7, $4  }
0xae: {  	s26 =	sshll.u32 s3, $0x6;
	[sflag:s23] =	ssyncset.done $0x0  }
0xaf: {  	s24 =	sadd.s32 s24, s26;
	[sflag:s23] =	ssyncadd.s32 $0xFFFFC000;
	s23 =	sshrl.u32 s21, $0x3  }
0xb0: {  	s11 =	sshrl.u32 s11, $0x3;
	s24 =	sadd.s32 $0x1C00, s24;
	s23 =	sadd.s32 s2, s23  }
0xb1: {  	[hbm:s23], [sflag:s24] =	dma.local [spmem:s11], $0x800  }
0xb2: {  	s23 =	sadd.s32 $0x2, s22  }
0xb3: {  	s11 =	smul.u32 $0xAB, s23;
	_ =	sdelay $0x1  }
0xb4: {  	s11 =	sshrl.u32 s11, $0x9  }
0xb5: {  	s11 =	sand.u32 $0x7F, s11  }
0xb6: {  	s11 =	smul.u32 $0x3, s11;
	_ =	sdelay $0x1  }
0xb7: {  	s11 =	ssub.s32 s23, s11  }
0xb8: {  	s24 =	sand.u32 $0xFF, s11  }
0xb9: {  	p0 =	seq.s32 s24, $0x2  }
.Ltmp8:
0xba: {  	_ = 	snop;
	(pc) =	sbr.rel @p0 .LBB2_10-.Ltmp8, $1  }
0xbb: {  	_ =	sdelay $0x3  }
0xbc: {  	p0 =	seq.s32 s24, $0x1  }
.Ltmp9:
0xbd: {  	_ = 	snop;
	(pc) =	sbr.rel @!p0 .LBB2_7-.Ltmp9, $1  }
0xbe: {  	_ =	sdelay $0x3  }
0xbf: {  	v3 =	vld [tilespmem:s20+$0x0];
	_ =	sdelay $0x4  }
0xc0: {  	v4 =	vshll.u32 v3, $0x3  }
0xc1: {  	v3 =	vand.u32 $0x7, v3;
	v4 =	vand.u32 $0xFFFFFFC0, v4  }
0xc2: {  	v3 =	vor.u32 v3, v4  }
0xc3: {  	v4 =	vperm.xlane v3, v0;
	_ =	sdelay $0x1  }
0xc4: {  	v4 =	vadd.s32 v1, v4;
	_ =	sdelay $0x3  }
0xc5: {  	s11 =	simm.s32 $0x4400  }
0xc6: {  	[tilespmem:s11], [sflag:$0x2] =	stream.indirect_vreg.gather [hbm4b:s1+s4], $0x80, v4, vm0, $0xb8;
	[tilespmem:$0x18400] =	vst v63  }
0xc7: {  	s24 =	simm.s32 $0x4C00;
	v3 =	vperm.xlane v3, v2  }
0xc8: {  	[tilespmem:s24], [sflag:$0x2] =	stream.indirect_vreg.gather [hbm4b:s6+s4], $0x80, v4, vm0, $0xb8;
	[tilespmem:$0x18400] =	vst v63  }
0xc9: {  	s26 =	simm.s32 $0x5400;
	v3 =	vadd.s32 v1, v3  }
0xca: {  	[tilespmem:s26], [sflag:$0x2] =	stream.indirect_vreg.gather [hbm4b:s8+s4], $0x80, v4, vm0, $0xb8;
	[tilespmem:$0x18400] =	vst v63  }
0xcb: {  	_ = 	snop  }
0xcc: {  	[tilespmem:s28], [sflag:$0x2] =	stream.indirect_vreg.gather [hbm4b:s9+s4], $0x80, v4, vm0, $0xb8;
	[tilespmem:$0x18400] =	vst v63  }
0xcd: {  	_ = 	snop  }
0xce: {  	[tilespmem:s29], [sflag:$0x2] =	stream.indirect_vreg.gather [hbm4b:s1+s4], $0x80, v3, vm0, $0xb8;
	[tilespmem:$0x18400] =	vst v63  }
0xcf: {  	_ = 	snop  }
0xd0: {  	[tilespmem:s30], [sflag:$0x2] =	stream.indirect_vreg.gather [hbm4b:s6+s4], $0x80, v3, vm0, $0xb8;
	[tilespmem:$0x18400] =	vst v63  }
.Ltmp10:
0xd1: {  	_ = 	snop;
	(pc) =	sbr.rel .LBB2_11-.Ltmp10, $4  }
0xd2: {  	_ = 	snop  }
0xd3: {  	[tilespmem:s31], [sflag:$0x2] =	stream.indirect_vreg.gather [hbm4b:s8+s4], $0x80, v3, vm0, $0xb8;
	[tilespmem:$0x18400] =	vst v63  }
0xd4: {  	_ = 	snop  }
0xd5: {  	[tilespmem:s0], [sflag:$0x2] =	stream.indirect_vreg.gather [hbm4b:s9+s4], $0x80, v3, vm0, $0xb8;
	[tilespmem:$0x18400] =	vst v63  }
.LBB2_7:
0xd6: {  	v3 =	vld [tilespmem:s20+$0x0];
	_ =	sdelay $0x4  }
0xd7: {  	v4 =	vshll.u32 v3, $0x3  }
0xd8: {  	v3 =	vand.u32 $0x7, v3;
	v4 =	vand.u32 $0xFFFFFFC0, v4  }
0xd9: {  	v3 =	vor.u32 v3, v4  }
0xda: {  	v4 =	vperm.xlane v3, v0;
	_ =	sdelay $0x1  }
0xdb: {  	v4 =	vadd.s32 v1, v4;
	_ =	sdelay $0x3  }
0xdc: {  	s11 =	simm.s32 $0x400  }
0xdd: {  	[tilespmem:s11], [sflag:$0x1] =	stream.indirect_vreg.gather [hbm4b:s1+s4], $0x80, v4, vm0, $0xb8;
	[tilespmem:$0x18400] =	vst v63  }
0xde: {  	s26 =	simm.s32 $0xC00;
	v3 =	vperm.xlane v3, v2  }
0xdf: {  	[tilespmem:s26], [sflag:$0x1] =	stream.indirect_vreg.gather [hbm4b:s6+s4], $0x80, v4, vm0, $0xb8;
	[tilespmem:$0x18400] =	vst v63  }
0xe0: {  	s23 =	simm.s32 $0x1400;
	v3 =	vadd.s32 v1, v3  }
0xe1: {  	[tilespmem:s23], [sflag:$0x1] =	stream.indirect_vreg.gather [hbm4b:s8+s4], $0x80, v4, vm0, $0xb8;
	[tilespmem:$0x18400] =	vst v63  }
0xe2: {  	s24 =	simm.s32 $0x1C00  }
0xe3: {  	[tilespmem:s24], [sflag:$0x1] =	stream.indirect_vreg.gather [hbm4b:s9+s4], $0x80, v4, vm0, $0xb8;
	[tilespmem:$0x18400] =	vst v63  }
0xe4: {  	s26 =	simm.s32 $0x2400  }
0xe5: {  	[tilespmem:s26], [sflag:$0x1] =	stream.indirect_vreg.gather [hbm4b:s1+s4], $0x80, v3, vm0, $0xb8;
	[tilespmem:$0x18400] =	vst v63  }
0xe6: {  	s23 =	simm.s32 $0x2C00  }
0xe7: {  	[tilespmem:s23], [sflag:$0x1] =	stream.indirect_vreg.gather [hbm4b:s6+s4], $0x80, v3, vm0, $0xb8;
	[tilespmem:$0x18400] =	vst v63  }
.Ltmp11:
0xe8: {  	_ = 	snop;
	(pc) =	sbr.rel .LBB2_11-.Ltmp11, $4  }
0xe9: {  	s24 =	simm.s32 $0x3400  }
0xea: {  	[tilespmem:s24], [sflag:$0x1] =	stream.indirect_vreg.gather [hbm4b:s8+s4], $0x80, v3, vm0, $0xb8;
	[tilespmem:$0x18400] =	vst v63  }
0xeb: {  	s26 =	simm.s32 $0x3C00  }
0xec: {  	[tilespmem:s26], [sflag:$0x1] =	stream.indirect_vreg.gather [hbm4b:s9+s4], $0x80, v3, vm0, $0xb8;
	[tilespmem:$0x18400] =	vst v63  }
.LBB2_13:
0xed: {  	_ =	sfence.sel $0x180000  }
0xee: {  	[bflag:$0x0] =	sbarrier.arrive $0xFFFF  }
0xef: {  	_ =	strace $0x90000047  }
0xf0: {  	[bflag:$0x2] =	sbarrier.arrive $0xFFFF  }
0xf1: {  	p0 =	sne.s32 s3, $0x0;
	s0 =	rddreg [dreg:$0x4]  }
0xf2: {  	s0 =	sadd.s32 @!p0 $0x100000, s0  }
0xf3: {  	[sflag:s0] =	ssyncadd.tile.s32 @!p0 $0x1;
	_ =	shalt  }
.Lfunc_end2:
_tile_overlayer_lowered:
.L_overlay_start_2:
0xf4: {  	(tag) =	ssettag $0x2  }
0xf5: {  	s0 =	rddreg [dreg:$0x0];
	s2 =	stileid.u32  }
0xf6: {  	s1 =	rddreg [dreg:$0x1];
	p0 =	sne.s32 s2, $0x0  }
0xf7: {  	s3 =	rddreg [dreg:$0x2];
	[bflag:$0x3] =	sbarrier.arrive $0xFFFF;
	s2 =	simm.s32 @!p0 $0x1C0A  }
0xf8: {  	[timem:s3], [sflag:s2] =	dma.local @!p0 [hbm:s0], s1  }
0xf9: {  	s0 =	simm.s32 @!p0 $0xA  }
0xfa: {  	_ =	swait.ge @!p0 [sflag:s0], s1  }
0xfb: {  	s1 =	ssub.s32 @!p0 $0x0, s1;
	[sflag:s0] =	ssyncset.done @!p0 $0x0  }
0xfc: {  	[sflag:s0] =	ssyncadd.s32 @!p0 s1  }
0xfd: {  	[bflag:$0x3] =	sbarrier.arrive $0xFFFF  }
0xfe: {  	_ =	shalt  }

</sc_bundles>
